<compile_context>
chip_gen: v7x
topology: tpu7x:2x2x1
jax: 0.10.2.dev20260603
libtpu: 0.0.44.dev20260713+nightly
codegen_flags: <defaults>
</compile_context>

<pallas_src>
import functools

import jax
import jax.numpy as jnp
from jax import lax
from jax.experimental.compute_on import compute_on
from jax.experimental import pallas as pl
from jax.experimental.pallas import tpu as pltpu
from jax.experimental.pallas import tpu_sc as plsc

_N, _E, _D, _H, _F = 2048, 32768, 1024, 512, 32
_DH = _D // 2
_DQ = _D // 4
_HALF = 1024 * _N
_PAD = 256 * _N
_TR0 = _HALF
_C1 = _HALF + _PAD
_TR1 = _C1 + _HALF
_FLATA = 2 * (_HALF + _PAD)


def _pack_bf16_pair(v):
    hi = lax.bitcast_convert_type(v[:, _DH // 2:].astype(jnp.bfloat16),
                                  jnp.uint16).astype(jnp.uint32)
    lo = lax.bitcast_convert_type(v[:, : _DH // 2].astype(jnp.bfloat16),
                                  jnp.uint16).astype(jnp.uint32)
    return lax.bitcast_convert_type((hi << 16) | lo, jnp.float32)


def _unpack_bf16_pair(w):
    u = lax.bitcast_convert_type(w, jnp.uint32)
    lo = lax.bitcast_convert_type((u & 0xFFFF).astype(jnp.uint16),
                                  jnp.bfloat16).astype(jnp.float32)
    hi = lax.bitcast_convert_type((u >> 16).astype(jnp.uint16),
                                  jnp.bfloat16).astype(jnp.float32)
    return lo, hi


def _k1_body(inst, Ws, bs, Wo, bo, Wm, bm, S_o, O_o, M_o):
    x = inst[...]
    S_o[...] = _pack_bf16_pair(jax.nn.relu(jnp.dot(x, Ws[...]) + bs[...]))
    O_o[...] = _pack_bf16_pair(jax.nn.relu(jnp.dot(x, Wo[...]) + bo[...]))
    M_o[...] = jnp.dot(x, Wm[...]) + bm[...]


def _k1(inst, Ws, bs, Wo, bo, Wm, bm):
    blk = 256
    grid = _N // blk
    full = lambda shape: pl.BlockSpec(shape, lambda i: (0, 0))
    return pl.pallas_call(
        _k1_body,
        grid=(grid,),
        in_specs=[
            pl.BlockSpec((blk, _D), lambda i: (i, 0)),
            full((_D, _H)), full((1, _H)),
            full((_D, _H)), full((1, _H)),
            full((_D, _DH)), full((1, _DH)),
        ],
        out_specs=[
            pl.BlockSpec((blk, _H // 2), lambda i: (i, 0)),
            pl.BlockSpec((blk, _H // 2), lambda i: (i, 0)),
            pl.BlockSpec((blk, _DH), lambda i: (i, 0)),
        ],
        out_shape=[
            jax.ShapeDtypeStruct((_N, _H // 2), jnp.float32),
            jax.ShapeDtypeStruct((_N, _H // 2), jnp.float32),
            jax.ShapeDtypeStruct((_N, _DH), jnp.float32),
        ],
    )(inst, Ws, bs, Wo, bo, Wm, bm)


def _sc_gather(S, O, src, dst, ne):
    mesh = plsc.VectorSubcoreMesh(core_axis_name="c", subcore_axis_name="s")
    nw = 32
    per_w = ne // nw
    chunk = 32

    nchunks = per_w // chunk

    @functools.partial(
        pl.kernel,
        out_type=[
            jax.ShapeDtypeStruct((ne, _H // 2), jnp.float32),
            jax.ShapeDtypeStruct((ne, _H // 2), jnp.float32),
        ],
        mesh=mesh,
        scratch_types=[
            pltpu.VMEM((per_w,), jnp.int32),
            pltpu.VMEM((per_w,), jnp.int32),
            pltpu.VMEM((chunk, _H // 2), jnp.float32),
            pltpu.VMEM((chunk, _H // 2), jnp.float32),
            pltpu.VMEM((chunk, _H // 2), jnp.float32),
            pltpu.VMEM((chunk, _H // 2), jnp.float32),
            pltpu.SemaphoreType.DMA, pltpu.SemaphoreType.DMA,
            pltpu.SemaphoreType.DMA, pltpu.SemaphoreType.DMA,
            pltpu.SemaphoreType.DMA, pltpu.SemaphoreType.DMA,
            pltpu.SemaphoreType.DMA, pltpu.SemaphoreType.DMA,
        ],
    )
    def k(S_h, O_h, src_h, dst_h, se_h, oe_h, sidx, didx,
          sr0, sr1, or0, or1, gs0, gs1, go0, go1, ws0, ws1, wo0, wo1):
        wid = lax.axis_index("s") * 2 + lax.axis_index("c")
        base = wid * per_w
        pltpu.sync_copy(src_h.at[pl.ds(base, per_w)], sidx)
        pltpu.sync_copy(dst_h.at[pl.ds(base, per_w)], didx)
        srow, orow = (sr0, sr1), (or0, or1)
        gs, go = (gs0, gs1), (go0, go1)
        ws, wo = (ws0, ws1), (wo0, wo1)

        def fire_g(c, b):
            cb = c * chunk
            pltpu.async_copy(S_h.at[sidx.at[pl.ds(cb, chunk)]], srow[b], gs[b])
            pltpu.async_copy(O_h.at[didx.at[pl.ds(cb, chunk)]], orow[b], go[b])

        def wait_g(c, b):
            cb = c * chunk
            pltpu.make_async_copy(S_h.at[sidx.at[pl.ds(cb, chunk)]], srow[b], gs[b]).wait()
            pltpu.make_async_copy(O_h.at[didx.at[pl.ds(cb, chunk)]], orow[b], go[b]).wait()

        def fire_w(c, b):
            cb = c * chunk
            pltpu.async_copy(srow[b], se_h.at[pl.ds(base + cb, chunk)], ws[b])
            pltpu.async_copy(orow[b], oe_h.at[pl.ds(base + cb, chunk)], wo[b])

        def wait_w(c, b):
            cb = c * chunk
            pltpu.make_async_copy(srow[b], se_h.at[pl.ds(base + cb, chunk)], ws[b]).wait()
            pltpu.make_async_copy(orow[b], oe_h.at[pl.ds(base + cb, chunk)], wo[b]).wait()

        fire_g(0, 0)

        def body(c):
            @pl.when(c >= 2)
            def _():
                wait_w(c - 1, 1)
            fire_g(c + 1, 1)
            wait_g(c, 0)
            fire_w(c, 0)
            @pl.when(c + 2 < nchunks)
            def _():
                wait_w(c, 0)
                fire_g(c + 2, 0)
            wait_g(c + 1, 1)
            fire_w(c + 1, 1)

        pl.loop(0, nchunks, step=2)(body)
        wait_w(nchunks - 2, 0)
        wait_w(nchunks - 1, 1)

    return k(S, O, src, dst)


def _k2_body(union, se, oe, surv, Wu, bu, Wg, bg, gp1_o, m_o):
    i = pl.program_id(0)
    u = jax.nn.relu(jnp.dot(union[...], Wu[...]) + bu[...])
    se_lo, se_hi = _unpack_bf16_pair(se[...])
    oe_lo, oe_hi = _unpack_bf16_pair(oe[...])
    hh = _H // 2
    p_lo = se_lo * oe_lo * u[:, :hh]
    p_hi = se_hi * oe_hi * u[:, hh:]
    af = jax.nn.relu(jnp.dot(p_lo, Wg[:hh, :]) + jnp.dot(p_hi, Wg[hh:, :])
                     + bg[...])
    gate = jnp.mean(af, axis=1)
    gp1_o[0, 0, :] = gate + 1.0

    @pl.when(i == 0)
    def _():
        m_o[0, 0] = 0.0

    m_o[0, 0] = jnp.maximum(m_o[0, 0], jnp.max(gate * surv[0, 0, :]))


def _k2(union, se, oe, surv, Wu, bu, Wg, bg):
    blk = 1024
    grid = union.shape[0] // blk
    full = lambda shape: pl.BlockSpec(shape, lambda i: (0, 0))
    return pl.pallas_call(
        _k2_body,
        grid=(grid,),
        in_specs=[
            pl.BlockSpec((blk, _D), lambda i: (i, 0)),
            pl.BlockSpec((blk, _H // 2), lambda i: (i, 0)),
            pl.BlockSpec((blk, _H // 2), lambda i: (i, 0)),
            pl.BlockSpec((1, 1, blk), lambda i: (i, 0, 0)),
            full((_D, _H)), full((1, _H)),
            full((_H, _F)), full((1, _F)),
        ],
        out_specs=[
            pl.BlockSpec((1, 1, blk), lambda i: (i, 0, 0)),
            pl.BlockSpec((1, 1), lambda i: (0, 0), memory_space=pltpu.SMEM),
        ],
        out_shape=[
            jax.ShapeDtypeStruct((grid, 1, blk), jnp.float32),
            jax.ShapeDtypeStruct((1, 1), jnp.float32),
        ],
    )(union, se, oe, surv, Wu, bu, Wg, bg)


def _sc_scatter(gp1, skey):
    mesh = plsc.VectorSubcoreMesh(core_axis_name="c", subcore_axis_name="s")
    rows_w = 16
    zwords = 16384
    zper_w = _HALF // 8
    zchunks = zper_w // zwords

    @functools.partial(
        pl.kernel,
        out_type=jax.ShapeDtypeStruct((_FLATA,), jnp.float32),
        mesh=mesh,
        scratch_types=[
            pltpu.VMEM((zwords,), jnp.float32),
            pltpu.VMEM((rows_w, 128), jnp.int32),
            pltpu.VMEM((rows_w, 128), jnp.float32),
            pltpu.SemaphoreType.DMA,
        ],
    )
    def k(gp1_h, skey_h, a_h, zbuf, keys, vals, sem):
        core = lax.axis_index("c")
        sub = lax.axis_index("s")

        @pl.when(core == 0)
        def _():
            def zvec(i):
                zbuf[pl.ds(i * 16, 16)] = jnp.zeros((16,), jnp.float32)
            pl.loop(0, zwords // 16)(zvec)

            zbase = sub * zper_w + jnp.where(sub >= 8, _PAD, 0)

            def zout(j):
                pltpu.sync_copy(zbuf, a_h.at[pl.ds(zbase + j * zwords, zwords)])
            pl.loop(0, zchunks)(zout)

        plsc.subcore_barrier()

        @pl.when(core == 0)
        def _():
            rbase = sub * rows_w
            pltpu.sync_copy(gp1_h.at[pl.ds(rbase, rows_w)], vals)
            pltpu.sync_copy(skey_h.at[pl.ds(rbase, rows_w)], keys)

            def scat(j):
                pltpu.async_copy(vals.at[j], a_h.at[keys.at[j]], sem).wait()
            pl.loop(0, rows_w)(scat)

    return k(gp1, skey)


def _k4_body(A, Mmsg, m, out1_o, out2_o, valid_o):
    i = pl.program_id(0)
    a = A[...]
    mask = (a != 0.0).astype(jnp.float32)
    expw = jnp.exp((a - 1.0) - m[0, 0]) * mask
    rowsum = jnp.sum(expw, axis=1, keepdims=True)
    atten = expw / (rowsum + 1e-6)
    out1_o[...] = jnp.dot(atten, Mmsg[...])
    mrow = Mmsg[pl.ds(i * 256, 256), :]

    @pl.when(i == 0)
    def _():
        out2_o[...] = jnp.zeros_like(out2_o)

    out2_o[...] += lax.dot_general(atten, mrow, (((0,), (0,)), ((), ())))
    valid_o[...] = (rowsum > 0.0).astype(jnp.float32)


def _k4(A, Mmsg, m):
    blk = 256
    grid = _N // blk
    return pl.pallas_call(
        _k4_body,
        grid=(grid,),
        in_specs=[
            pl.BlockSpec((blk, _N), lambda i: (jnp.where(i >= 4, i + 1, i), 0)),
            pl.BlockSpec((_N, _DH), lambda i: (0, 0)),
            pl.BlockSpec((1, 1), lambda i: (0, 0), memory_space=pltpu.SMEM),
        ],
        out_specs=[
            pl.BlockSpec((blk, _DH), lambda i: (i, 0)),
            pl.BlockSpec((_N, _DH), lambda i: (0, 0)),
            pl.BlockSpec((blk, 1), lambda i: (i, 0)),
        ],
        out_shape=[
            jax.ShapeDtypeStruct((_N, _DH), jnp.float32),
            jax.ShapeDtypeStruct((_N, _DH), jnp.float32),
            jax.ShapeDtypeStruct((_N, 1), jnp.float32),
        ],
    )(A, Mmsg, m)


def _k5_body(o1, o2, valid, W1, b1, gm, bt, W2, b2, out_o):
    mf = jnp.concatenate([o1[...], o2[...]], axis=1)
    h = jnp.dot(mf, W1[...]) + b1[...]
    mu = jnp.mean(h, axis=1, keepdims=True)
    var = jnp.mean((h - mu) ** 2, axis=1, keepdims=True)
    h = (h - mu) / jnp.sqrt(var + 1e-5) * gm[...] + bt[...]
    h = jax.nn.relu(h)
    out = jax.nn.relu(jnp.dot(h, W2[...]) + b2[...])
    out_o[...] = out * valid[...]


def _k5(o1, o2, valid, W1, b1, gm, bt, W2, b2):
    blk = 256
    grid = _N // blk
    full = lambda shape: pl.BlockSpec(shape, lambda i: (0, 0))
    return pl.pallas_call(
        _k5_body,
        grid=(grid,),
        in_specs=[
            pl.BlockSpec((blk, _DH), lambda i: (i, 0)),
            pl.BlockSpec((blk, _DH), lambda i: (i, 0)),
            pl.BlockSpec((blk, 1), lambda i: (i, 0)),
            full((_D, _DQ)), full((1, _DQ)),
            full((1, _DQ)), full((1, _DQ)),
            full((_DQ, _H)), full((1, _H)),
        ],
        out_specs=pl.BlockSpec((blk, _H), lambda i: (i, 0)),
        out_shape=jax.ShapeDtypeStruct((_N, _H), jnp.float32),
    )(o1, o2, valid, W1, b1, gm, bt, W2, b2)


def kernel(inst_features, union_features, rel_pair_idx, Ws, bs, Wo, bo, Wu,
           bu, Wg, bg, Wmsg, bmsg, Wout1, bout1, gamma, beta, Wout2, bout2):
    src = rel_pair_idx[:, 0]
    dst = rel_pair_idx[:, 1]
    e = jnp.arange(_E, dtype=jnp.int32)
    key = src * _N + dst
    @compute_on("tpu_sparsecore")
    def _winner(kk, ee):
        return jnp.zeros((_N * _N,), jnp.int32).at[kk].max(ee)

    surv = _winner(key, e)[key] == e
    trash_off = (e & 8191) * 8
    shifted = jnp.where(key >= _HALF, key + _PAD, key)
    skey = jnp.where(surv, shifted, _TR0 + trash_off)

    S, O, Mmsg2 = _k1(inst_features, Ws, bs.reshape(1, -1), Wo,
                      bo.reshape(1, -1), Wmsg, bmsg.reshape(1, -1))
    Se, Oe = _sc_gather(S, O, src, dst, _E)
    gp1, m = _k2(union_features, Se, Oe,
                 surv.astype(jnp.float32).reshape(_E // 1024, 1, 1024),
                 Wu, bu.reshape(1, -1), Wg, bg.reshape(1, -1))
    A_flat = _sc_scatter(gp1.reshape(256, 128), skey.reshape(256, 128))
    A2d = A_flat.reshape(_FLATA // _N, _N)
    out1, out2, valid = _k4(A2d, Mmsg2, m)
    return _k5(out1, out2, valid, Wout1, bout1.reshape(1, -1),
               gamma.reshape(1, -1), beta.reshape(1, -1), Wout2,
               bout2.reshape(1, -1))

# --- scband reference (transcript-rebuilt; emitter-appended) ---
"""Pipeline reference for scband-gpsnet-context-74758200754700 (READ-ONLY COPY).

The authoritative reference and input builder live on the scoring server;
editing this copy changes nothing except your own understanding.
"""

import jax, jax.numpy as jnp
import numpy as np

N, E, D, H, F = 2048, 32768, 1024, 512, 32

def _linrelu(x, W, b):
    return jax.nn.relu(x @ W + b)

def setup_inputs(seed: int = 0) -> dict:
    key = jax.random.key(seed)
    ks = jax.random.split(key, 24)
    def w(k, fan_in, fan_out):
        return jax.random.normal(k, (fan_in, fan_out), dtype=jnp.float32) * (2.0 / fan_in) ** 0.5
    inp = {}
    inp['inst_features'] = jax.random.normal(ks[0], (N, D), dtype=jnp.float32)
    inp['union_features'] = jax.random.normal(ks[1], (E, D), dtype=jnp.float32)
    inp['rel_pair_idx'] = jax.random.randint(ks[2], (E, 2), 0, N, dtype=jnp.int32)
    # GatingModel params
    inp['Ws'] = w(ks[3], D, H); inp['bs'] = jnp.zeros((H,), jnp.float32)
    inp['Wo'] = w(ks[4], D, H); inp['bo'] = jnp.zeros((H,), jnp.float32)
    inp['Wu'] = w(ks[5], D, H); inp['bu'] = jnp.zeros((H,), jnp.float32)
    inp['Wg'] = w(ks[6], H, F); inp['bg'] = jnp.zeros((F,), jnp.float32)
    # MessageGenerator params: message_fc Linear(D, D//2)
    inp['Wmsg'] = w(ks[7], D, D // 2); inp['bmsg'] = jnp.zeros((D // 2,), jnp.float32)
    # output_fc: Linear(D, D//4) -> LayerNorm(D//4) -> ReLU -> Linear(D//4, H) -> ReLU
    inp['Wout1'] = w(ks[8], D, D // 4); inp['bout1'] = jnp.zeros((D // 4,), jnp.float32)
    inp['gamma'] = jnp.ones((D // 4,), jnp.float32); inp['beta'] = jnp.zeros((D // 4,), jnp.float32)
    inp['Wout2'] = w(ks[9], D // 4, H); inp['bout2'] = jnp.zeros((H,), jnp.float32)
    return inp

def reference(inst_features, union_features, rel_pair_idx, Ws, bs, Wo, bo, Wu, bu, Wg, bg, Wmsg, bmsg, Wout1, bout1, gamma, beta, Wout2, bout2):
    src = rel_pair_idx[:, 0]
    dst = rel_pair_idx[:, 1]
    # GatingModel: per-edge gather of subject/object node features
    subj = jnp.take(inst_features, src, axis=0)
    obj = jnp.take(inst_features, dst, axis=0)
    prod = _linrelu(subj, Ws, bs) * _linrelu(obj, Wo, bo)
    atten_f = jax.nn.relu((prod * _linrelu(union_features, Wu, bu)) @ Wg + bg)
    weighting_gate = jnp.mean(atten_f, axis=1)  # [E]
    n = inst_features.shape[0]
    # masked softmax over dense NxN attention (scatter-overwrite, last-write-wins like torch)
    atten_ex = jnp.zeros((n, n), jnp.float32).at[src, dst].set(weighting_gate)
    atten_mask = jnp.zeros((n, n), jnp.float32).at[src, dst].set(1.0)
    atten_ex = jnp.exp(atten_ex - jnp.max(atten_ex)) * atten_mask
    atten = atten_ex / (jnp.sum(atten_ex, axis=1, keepdims=True) + 1e-6)
    atten_t = atten.T
    # multichnl_matmul over bidirectional attention channels
    msg = inst_features @ Wmsg + bmsg  # [N, D//2]
    message_feats = jnp.concatenate([atten @ msg, atten_t @ msg], axis=-1)  # [N, D]
    # output_fc (applied to all rows; rows with no valid messages are zeroed, matching index_select+scatter)
    h = message_feats @ Wout1 + bout1
    mu = jnp.mean(h, axis=-1, keepdims=True)
    var = jnp.var(h, axis=-1, keepdims=True)
    h = (h - mu) / jnp.sqrt(var + 1e-5) * gamma + beta
    h = jax.nn.relu(h)
    out = jax.nn.relu(h @ Wout2 + bout2)  # [N, H]
    valid = (jnp.sum(atten, axis=1) != 0).astype(jnp.float32)[:, None]
    return out * valid

if __name__ == "__main__":
    import jax
    _d = setup_inputs()
    print(jax.jit(kernel)(*tuple(_d.values())))

</pallas_src>

<mosaic_0001>
#map = affine_map<(d0, d1) -> (0, 0)>
#map1 = affine_map<(d0, d1) -> (0)>
module attributes {stable_mosaic.version = 14 : i64} {
  func.func @k(%arg0: i32, %arg1: i32, %arg2: memref<256x128xf32, #tpu.memory_space<hbm>>, %arg3: memref<256x128xi32, #tpu.memory_space<hbm>>, %arg4: memref<5242880xf32, #tpu.memory_space<hbm>>, %arg5: memref<16384xf32, #tpu.memory_space<vmem>>, %arg6: memref<16x128xi32, #tpu.memory_space<vmem>>, %arg7: memref<16x128xf32, #tpu.memory_space<vmem>>, %arg8: memref<!tpu.dma_semaphore, #tpu.memory_space<semaphore_mem>>) attributes {dimension_semantics = [#tpu.dimension_semantics<core_parallel>, #tpu.dimension_semantics<subcore_parallel>], iteration_bounds = array<i64: 2, 16>, scalar_prefetch = 0 : i64, scratch_operands = 4 : i64, tpu.core_type = #tpu.core_type<sc_vector_subcore>, window_params = [{transform_indices = #map}, {transform_indices = #map}, {transform_indices = #map1}]} {
    %eq3A = arith.constant 0 : i32
    %eq3A_0 = arith.cmpi eq, %arg0, %eq3A : i32
    %convert_element_type3A = arith.extui %eq3A_0 : i1 to i32
    %cond3A = arith.constant 0 : i32
    %cond3A_1 = arith.cmpi ne, %convert_element_type3A, %cond3A : i32
    scf.if %cond3A_1 {
      %scan3A = arith.constant 0 : i32
      %scan3A_7 = arith.constant 1024 : i32
      %scan3A_8 = arith.addi %scan3A, %scan3A_7 : i32
      %scan3A_9 = arith.constant 1 : i32
      scf.for %scan3A_19 = %scan3A to %scan3A_8 step %scan3A_9  : i32 {
        %mul3A_20 = arith.constant 1 : i32
        %mul3A_21 = arith.muli %scan3A_19, %mul3A_20 : i32
        %add3A_22 = arith.constant 0 : i32
        %add3A_23 = arith.addi %add3A_22, %mul3A_21 : i32
        %broadcast_in_dim3A = arith.constant 0.000000e+00 : f32
        %broadcast_in_dim3A_24 = vector.broadcast %broadcast_in_dim3A : f32 to vector<16xf32>
        %mul3A_25 = arith.constant 16 : i32
        %mul3A_26 = arith.muli %add3A_23, %mul3A_25 : i32
        %swap3A = arith.index_cast %mul3A_26 : i32 to index
        %swap3A_27 = tpu.vector_load %arg5[%swap3A] {strides = array<i32>} : memref<16384xf32, #tpu.memory_space<vmem>>, vector<16xf32>,
        %swap3A_28 = vector.shape_cast %swap3A_27 : vector<16xf32> to vector<16xf32>
        %swap3A_29 = vector.shape_cast %broadcast_in_dim3A_24 : vector<16xf32> to vector<16xf32>
        tpu.vector_store %arg5[%swap3A], %swap3A_29 {strides = array<i32>} : memref<16384xf32, #tpu.memory_space<vmem>>, vector<16xf32>,
      }
      %scan3A_10 = arith.constant 1024 : i32
      %mul3A = arith.constant 262144 : i32
      %mul3A_11 = arith.muli %arg1, %mul3A : i32
      %ge3A = arith.constant 8 : i32
      %ge3A_12 = arith.cmpi sge, %arg1, %ge3A : i32
      %jit3A = arith.constant 524288 : i32
      %jit3A_13 = arith.constant 0 : i32
      %select_n3A = arith.select %ge3A_12, %jit3A, %jit3A_13 : i32
      %add3A = arith.addi %mul3A_11, %select_n3A : i32
      %scan3A_14 = arith.constant 0 : i32
      %scan3A_15 = arith.constant 16 : i32
      %scan3A_16 = arith.addi %scan3A_14, %scan3A_15 : i32
      %scan3A_17 = arith.constant 1 : i32
      scf.for %scan3A_19 = %scan3A_14 to %scan3A_16 step %scan3A_17  : i32 {
        %mul3A_20 = arith.constant 1 : i32
        %mul3A_21 = arith.muli %scan3A_19, %mul3A_20 : i32
        %add3A_22 = arith.constant 0 : i32
        %add3A_23 = arith.addi %add3A_22, %mul3A_21 : i32
        %mul3A_24 = arith.constant 16384 : i32
        %mul3A_25 = arith.muli %add3A_23, %mul3A_24 : i32
        %add3A_26 = arith.addi %add3A, %mul3A_25 : i32
        "tpu.region"() ({
          %run_scoped3A = tpu.sem_alloc : memref<!tpu.dma_semaphore, #tpu.memory_space<semaphore_mem>>
          %dma_start3A = tpu.memref_slice %arg4[%add3A_26] : memref<5242880xf32, #tpu.memory_space<hbm>> -> memref<16384xf32, #tpu.memory_space<hbm>>
          %dma_start3A_27 = tpu.memref_slice %arg4[%add3A_26] : memref<5242880xf32, #tpu.memory_space<hbm>> -> memref<16384xf32, #tpu.memory_space<hbm>>
          tpu.enqueue_dma source(%arg5 : memref<16384xf32, #tpu.memory_space<vmem>>) target(%dma_start3A_27 : memref<16384xf32, #tpu.memory_space<hbm>>) target_semaphore(%run_scoped3A : memref<!tpu.dma_semaphore, #tpu.memory_space<semaphore_mem>>)
          %dma_wait3A = tpu.memref_slice %arg4[%add3A_26] : memref<5242880xf32, #tpu.memory_space<hbm>> -> memref<16384xf32, #tpu.memory_space<hbm>>
          %dma_wait3A_28 = tpu.memref_slice %arg4[%add3A_26] : memref<5242880xf32, #tpu.memory_space<hbm>> -> memref<16384xf32, #tpu.memory_space<hbm>>
          tpu.wait_dma2 semaphore(%run_scoped3A : memref<!tpu.dma_semaphore, #tpu.memory_space<semaphore_mem>>) src(%arg5 : memref<16384xf32, #tpu.memory_space<vmem>>) dst(%dma_wait3A_28 : memref<16384xf32, #tpu.memory_space<hbm>>)
          tpu.yield
        }) : () -> ()
      }
      %scan3A_18 = arith.constant 16 : i32
    } else {
    }
    %barrier3A = arith.constant 0 : index
    tpu.barrier barrier_id(%barrier3A)
    %eq3A_2 = arith.constant 0 : i32
    %eq3A_3 = arith.cmpi eq, %arg0, %eq3A_2 : i32
    %convert_element_type3A_4 = arith.extui %eq3A_3 : i1 to i32
    %cond3A_5 = arith.constant 0 : i32
    %cond3A_6 = arith.cmpi ne, %convert_element_type3A_4, %cond3A_5 : i32
    scf.if %cond3A_6 {
      %mul3A = arith.constant 16 : i32
      %mul3A_7 = arith.muli %arg1, %mul3A : i32
      "tpu.region"() ({
        %run_scoped3A = tpu.sem_alloc : memref<!tpu.dma_semaphore, #tpu.memory_space<semaphore_mem>>
        %dma_start3A = arith.constant 0 : i32
        %dma_start3A_12 = tpu.memref_slice %arg2[%mul3A_7, %dma_start3A] : memref<256x128xf32, #tpu.memory_space<hbm>> -> memref<16x128xf32, #tpu.memory_space<hbm>>
        %dma_start3A_13 = arith.constant 0 : i32
        %dma_start3A_14 = tpu.memref_slice %arg2[%mul3A_7, %dma_start3A_13] : memref<256x128xf32, #tpu.memory_space<hbm>> -> memref<16x128xf32, #tpu.memory_space<hbm>>
        tpu.enqueue_dma source(%dma_start3A_14 : memref<16x128xf32, #tpu.memory_space<hbm>>) target(%arg7 : memref<16x128xf32, #tpu.memory_space<vmem>>) target_semaphore(%run_scoped3A : memref<!tpu.dma_semaphore, #tpu.memory_space<semaphore_mem>>)
        %dma_wait3A = arith.constant 0 : i32
        %dma_wait3A_15 = tpu.memref_slice %arg2[%mul3A_7, %dma_wait3A] : memref<256x128xf32, #tpu.memory_space<hbm>> -> memref<16x128xf32, #tpu.memory_space<hbm>>
        %dma_wait3A_16 = arith.constant 0 : i32
        %dma_wait3A_17 = tpu.memref_slice %arg2[%mul3A_7, %dma_wait3A_16] : memref<256x128xf32, #tpu.memory_space<hbm>> -> memref<16x128xf32, #tpu.memory_space<hbm>>
        tpu.wait_dma2 semaphore(%run_scoped3A : memref<!tpu.dma_semaphore, #tpu.memory_space<semaphore_mem>>) src(%dma_wait3A_17 : memref<16x128xf32, #tpu.memory_space<hbm>>) dst(%arg7 : memref<16x128xf32, #tpu.memory_space<vmem>>)
        tpu.yield
      }) : () -> ()
      "tpu.region"() ({
        %run_scoped3A = tpu.sem_alloc : memref<!tpu.dma_semaphore, #tpu.memory_space<semaphore_mem>>
        %dma_start3A = arith.constant 0 : i32
        %dma_start3A_12 = tpu.memref_slice %arg3[%mul3A_7, %dma_start3A] : memref<256x128xi32, #tpu.memory_space<hbm>> -> memref<16x128xi32, #tpu.memory_space<hbm>>
        %dma_start3A_13 = arith.constant 0 : i32
        %dma_start3A_14 = tpu.memref_slice %arg3[%mul3A_7, %dma_start3A_13] : memref<256x128xi32, #tpu.memory_space<hbm>> -> memref<16x128xi32, #tpu.memory_space<hbm>>
        tpu.enqueue_dma source(%dma_start3A_14 : memref<16x128xi32, #tpu.memory_space<hbm>>) target(%arg6 : memref<16x128xi32, #tpu.memory_space<vmem>>) target_semaphore(%run_scoped3A : memref<!tpu.dma_semaphore, #tpu.memory_space<semaphore_mem>>)
        %dma_wait3A = arith.constant 0 : i32
        %dma_wait3A_15 = tpu.memref_slice %arg3[%mul3A_7, %dma_wait3A] : memref<256x128xi32, #tpu.memory_space<hbm>> -> memref<16x128xi32, #tpu.memory_space<hbm>>
        %dma_wait3A_16 = arith.constant 0 : i32
        %dma_wait3A_17 = tpu.memref_slice %arg3[%mul3A_7, %dma_wait3A_16] : memref<256x128xi32, #tpu.memory_space<hbm>> -> memref<16x128xi32, #tpu.memory_space<hbm>>
        tpu.wait_dma2 semaphore(%run_scoped3A : memref<!tpu.dma_semaphore, #tpu.memory_space<semaphore_mem>>) src(%dma_wait3A_17 : memref<16x128xi32, #tpu.memory_space<hbm>>) dst(%arg6 : memref<16x128xi32, #tpu.memory_space<vmem>>)
        tpu.yield
      }) : () -> ()
      %scan3A = arith.constant 0 : i32
      %scan3A_8 = arith.constant 16 : i32
      %scan3A_9 = arith.addi %scan3A, %scan3A_8 : i32
      %scan3A_10 = arith.constant 1 : i32
      scf.for %scan3A_12 = %scan3A to %scan3A_9 step %scan3A_10  : i32 {
        %mul3A_13 = arith.constant 1 : i32
        %mul3A_14 = arith.muli %scan3A_12, %mul3A_13 : i32
        %add3A = arith.constant 0 : i32
        %add3A_15 = arith.addi %add3A, %mul3A_14 : i32
        %dma_start3A = arith.constant 0 : i32
        %dma_start3A_16 = tpu.memref_slice %arg7[%add3A_15, %dma_start3A] : memref<16x128xf32, #tpu.memory_space<vmem>> -> memref<1x128xf32, #tpu.memory_space<vmem>>
        %dma_start3A_17 = tpu.memref_squeeze %dma_start3A_16 : memref<1x128xf32, #tpu.memory_space<vmem>> -> memref<128xf32, #tpu.memory_space<vmem>>
        %dma_start3A_18 = arith.constant 0 : i32
        %dma_start3A_19 = tpu.memref_slice %arg6[%add3A_15, %dma_start3A_18] : memref<16x128xi32, #tpu.memory_space<vmem>> -> memref<1x128xi32, #tpu.memory_space<vmem>>
        %dma_start3A_20 = tpu.memref_squeeze %dma_start3A_19 : memref<1x128xi32, #tpu.memory_space<vmem>> -> memref<128xi32, #tpu.memory_space<vmem>>
        %dma_start3A_21 = arith.constant 0 : i32
        %dma_start3A_22 = tpu.memref_slice %arg4[%dma_start3A_21] : memref<5242880xf32, #tpu.memory_space<hbm>> -> memref<5242880xf32, #tpu.memory_space<hbm>>
        tpu.enqueue_indirect_dma source(%dma_start3A_17 : memref<128xf32, #tpu.memory_space<vmem>>) target(%dma_start3A_22 : memref<5242880xf32, #tpu.memory_space<hbm>>) offsets(%dma_start3A_20 : memref<128xi32, #tpu.memory_space<vmem>>) semaphore(%arg8 : memref<!tpu.dma_semaphore, #tpu.memory_space<semaphore_mem>>)
        %dma_wait3A = arith.constant 0 : i32
        %dma_wait3A_23 = tpu.memref_slice %arg7[%add3A_15, %dma_wait3A] : memref<16x128xf32, #tpu.memory_space<vmem>> -> memref<1x128xf32, #tpu.memory_space<vmem>>
        %dma_wait3A_24 = tpu.memref_squeeze %dma_wait3A_23 : memref<1x128xf32, #tpu.memory_space<vmem>> -> memref<128xf32, #tpu.memory_space<vmem>>
        %dma_wait3A_25 = arith.constant 0 : i32
        %dma_wait3A_26 = tpu.memref_slice %arg6[%add3A_15, %dma_wait3A_25] : memref<16x128xi32, #tpu.memory_space<vmem>> -> memref<1x128xi32, #tpu.memory_space<vmem>>
        %dma_wait3A_27 = tpu.memref_squeeze %dma_wait3A_26 : memref<1x128xi32, #tpu.memory_space<vmem>> -> memref<128xi32, #tpu.memory_space<vmem>>
        %dma_wait3A_28 = arith.constant 0 : i32
        %dma_wait3A_29 = tpu.memref_slice %arg4[%dma_wait3A_28] : memref<5242880xf32, #tpu.memory_space<hbm>> -> memref<5242880xf32, #tpu.memory_space<hbm>>
        tpu.wait_indirect_dma semaphore(%arg8 : memref<!tpu.dma_semaphore, #tpu.memory_space<semaphore_mem>>) src(%dma_wait3A_24 : memref<128xf32, #tpu.memory_space<vmem>>) dst(%dma_wait3A_29 : memref<5242880xf32, #tpu.memory_space<hbm>>)
      }
      %scan3A_11 = arith.constant 16 : i32
    } else {
    }
    return
  }
}

#map = affine_map<(d0, d1) -> (0, 0)>
#map1 = affine_map<(d0, d1) -> (0)>
module attributes {stable_mosaic.version = 14 : i64} {
  func.func @k(%arg0: i32, %arg1: i32, %arg2: memref<2048x256xf32, #tpu.memory_space<hbm>>, %arg3: memref<2048x256xf32, #tpu.memory_space<hbm>>, %arg4: memref<32768xi32, #tpu.memory_space<hbm>>, %arg5: memref<32768xi32, #tpu.memory_space<hbm>>, %arg6: memref<32768x256xf32, #tpu.memory_space<hbm>>, %arg7: memref<32768x256xf32, #tpu.memory_space<hbm>>, %arg8: memref<1024xi32, #tpu.memory_space<vmem>>, %arg9: memref<1024xi32, #tpu.memory_space<vmem>>, %arg10: memref<32x256xf32, #tpu.memory_space<vmem>>, %arg11: memref<32x256xf32, #tpu.memory_space<vmem>>, %arg12: memref<32x256xf32, #tpu.memory_space<vmem>>, %arg13: memref<32x256xf32, #tpu.memory_space<vmem>>, %arg14: memref<!tpu.dma_semaphore, #tpu.memory_space<semaphore_mem>>, %arg15: memref<!tpu.dma_semaphore, #tpu.memory_space<semaphore_mem>>, %arg16: memref<!tpu.dma_semaphore, #tpu.memory_space<semaphore_mem>>, %arg17: memref<!tpu.dma_semaphore, #tpu.memory_space<semaphore_mem>>, %arg18: memref<!tpu.dma_semaphore, #tpu.memory_space<semaphore_mem>>, %arg19: memref<!tpu.dma_semaphore, #tpu.memory_space<semaphore_mem>>, %arg20: memref<!tpu.dma_semaphore, #tpu.memory_space<semaphore_mem>>, %arg21: memref<!tpu.dma_semaphore, #tpu.memory_space<semaphore_mem>>) attributes {dimension_semantics = [#tpu.dimension_semantics<core_parallel>, #tpu.dimension_semantics<subcore_parallel>], iteration_bounds = array<i64: 2, 16>, scalar_prefetch = 0 : i64, scratch_operands = 14 : i64, tpu.core_type = #tpu.core_type<sc_vector_subcore>, window_params = [{transform_indices = #map}, {transform_indices = #map}, {transform_indices = #map1}, {transform_indices = #map1}, {transform_indices = #map}, {transform_indices = #map}]} {
    %mul3A = arith.constant 2 : i32
    %mul3A_0 = arith.muli %arg1, %mul3A : i32
    %add3A = arith.addi %mul3A_0, %arg0 : i32
    %mul3A_1 = arith.constant 1024 : i32
    %mul3A_2 = arith.muli %add3A, %mul3A_1 : i32
    "tpu.region"() ({
      %run_scoped3A = tpu.sem_alloc : memref<!tpu.dma_semaphore, #tpu.memory_space<semaphore_mem>>
      %dma_start3A_39 = tpu.memref_slice %arg4[%mul3A_2] : memref<32768xi32, #tpu.memory_space<hbm>> -> memref<1024xi32, #tpu.memory_space<hbm>>
      %dma_start3A_40 = tpu.memref_slice %arg4[%mul3A_2] : memref<32768xi32, #tpu.memory_space<hbm>> -> memref<1024xi32, #tpu.memory_space<hbm>>
      tpu.enqueue_dma source(%dma_start3A_40 : memref<1024xi32, #tpu.memory_space<hbm>>) target(%arg8 : memref<1024xi32, #tpu.memory_space<vmem>>) target_semaphore(%run_scoped3A : memref<!tpu.dma_semaphore, #tpu.memory_space<semaphore_mem>>)
      %dma_wait3A_41 = tpu.memref_slice %arg4[%mul3A_2] : memref<32768xi32, #tpu.memory_space<hbm>> -> memref<1024xi32, #tpu.memory_space<hbm>>
      %dma_wait3A_42 = tpu.memref_slice %arg4[%mul3A_2] : memref<32768xi32, #tpu.memory_space<hbm>> -> memref<1024xi32, #tpu.memory_space<hbm>>
      tpu.wait_dma2 semaphore(%run_scoped3A : memref<!tpu.dma_semaphore, #tpu.memory_space<semaphore_mem>>) src(%dma_wait3A_42 : memref<1024xi32, #tpu.memory_space<hbm>>) dst(%arg8 : memref<1024xi32, #tpu.memory_space<vmem>>)
      tpu.yield
    }) : () -> ()
    "tpu.region"() ({
      %run_scoped3A = tpu.sem_alloc : memref<!tpu.dma_semaphore, #tpu.memory_space<semaphore_mem>>
      %dma_start3A_39 = tpu.memref_slice %arg5[%mul3A_2] : memref<32768xi32, #tpu.memory_space<hbm>> -> memref<1024xi32, #tpu.memory_space<hbm>>
      %dma_start3A_40 = tpu.memref_slice %arg5[%mul3A_2] : memref<32768xi32, #tpu.memory_space<hbm>> -> memref<1024xi32, #tpu.memory_space<hbm>>
      tpu.enqueue_dma source(%dma_start3A_40 : memref<1024xi32, #tpu.memory_space<hbm>>) target(%arg9 : memref<1024xi32, #tpu.memory_space<vmem>>) target_semaphore(%run_scoped3A : memref<!tpu.dma_semaphore, #tpu.memory_space<semaphore_mem>>)
      %dma_wait3A_41 = tpu.memref_slice %arg5[%mul3A_2] : memref<32768xi32, #tpu.memory_space<hbm>> -> memref<1024xi32, #tpu.memory_space<hbm>>
      %dma_wait3A_42 = tpu.memref_slice %arg5[%mul3A_2] : memref<32768xi32, #tpu.memory_space<hbm>> -> memref<1024xi32, #tpu.memory_space<hbm>>
      tpu.wait_dma2 semaphore(%run_scoped3A : memref<!tpu.dma_semaphore, #tpu.memory_space<semaphore_mem>>) src(%dma_wait3A_42 : memref<1024xi32, #tpu.memory_space<hbm>>) dst(%arg9 : memref<1024xi32, #tpu.memory_space<vmem>>)
      tpu.yield
    }) : () -> ()
    %dma_start3A = arith.constant 0 : i32
    %dma_start3A_3 = tpu.memref_slice %arg8[%dma_start3A] : memref<1024xi32, #tpu.memory_space<vmem>> -> memref<32xi32, #tpu.memory_space<vmem>>
    %dma_start3A_4 = arith.constant 0 : i32
    %dma_start3A_5 = arith.constant 0 : i32
    %dma_start3A_6 = tpu.memref_slice %arg2[%dma_start3A_4, %dma_start3A_5] : memref<2048x256xf32, #tpu.memory_space<hbm>> -> memref<2048x256xf32, #tpu.memory_space<hbm>>
    tpu.enqueue_indirect_dma source(%dma_start3A_6 : memref<2048x256xf32, #tpu.memory_space<hbm>>) target(%arg10 : memref<32x256xf32, #tpu.memory_space<vmem>>) offsets(%dma_start3A_3 : memref<32xi32, #tpu.memory_space<vmem>>) semaphore(%arg14 : memref<!tpu.dma_semaphore, #tpu.memory_space<semaphore_mem>>)
    %dma_start3A_7 = arith.constant 0 : i32
    %dma_start3A_8 = tpu.memref_slice %arg9[%dma_start3A_7] : memref<1024xi32, #tpu.memory_space<vmem>> -> memref<32xi32, #tpu.memory_space<vmem>>
    %dma_start3A_9 = arith.constant 0 : i32
    %dma_start3A_10 = arith.constant 0 : i32
    %dma_start3A_11 = tpu.memref_slice %arg3[%dma_start3A_9, %dma_start3A_10] : memref<2048x256xf32, #tpu.memory_space<hbm>> -> memref<2048x256xf32, #tpu.memory_space<hbm>>
    tpu.enqueue_indirect_dma source(%dma_start3A_11 : memref<2048x256xf32, #tpu.memory_space<hbm>>) target(%arg12 : memref<32x256xf32, #tpu.memory_space<vmem>>) offsets(%dma_start3A_8 : memref<32xi32, #tpu.memory_space<vmem>>) semaphore(%arg16 : memref<!tpu.dma_semaphore, #tpu.memory_space<semaphore_mem>>)
    %scan3A = arith.constant 0 : i32
    %scan3A_12 = arith.constant 16 : i32
    %scan3A_13 = arith.addi %scan3A, %scan3A_12 : i32
    %scan3A_14 = arith.constant 1 : i32
    scf.for %scan3A_39 = %scan3A to %scan3A_13 step %scan3A_14  : i32 {
      %mul3A_40 = arith.constant 2 : i32
      %mul3A_41 = arith.muli %scan3A_39, %mul3A_40 : i32
      %add3A_42 = arith.constant 0 : i32
      %add3A_43 = arith.addi %add3A_42, %mul3A_41 : i32
      %ge3A = arith.constant 2 : i32
      %ge3A_44 = arith.cmpi sge, %add3A_43, %ge3A : i32
      %convert_element_type3A = arith.extui %ge3A_44 : i1 to i32
      %cond3A = arith.constant 0 : i32
      %cond3A_45 = arith.cmpi ne, %convert_element_type3A, %cond3A : i32
      scf.if %cond3A_45 {
        %sub3A = arith.constant 1 : i32
        %sub3A_112 = arith.subi %add3A_43, %sub3A : i32
        %mul3A_113 = arith.constant 32 : i32
        %mul3A_114 = arith.muli %sub3A_112, %mul3A_113 : i32
        %add3A_115 = arith.addi %mul3A_2, %mul3A_114 : i32
        %dma_wait3A_116 = arith.constant 0 : i32
        %dma_wait3A_117 = tpu.memref_slice %arg6[%add3A_115, %dma_wait3A_116] : memref<32768x256xf32, #tpu.memory_space<hbm>> -> memref<32x256xf32, #tpu.memory_space<hbm>>
        %dma_wait3A_118 = arith.constant 0 : i32
        %dma_wait3A_119 = tpu.memref_slice %arg6[%add3A_115, %dma_wait3A_118] : memref<32768x256xf32, #tpu.memory_space<hbm>> -> memref<32x256xf32, #tpu.memory_space<hbm>>
        tpu.wait_dma2 semaphore(%arg19 : memref<!tpu.dma_semaphore, #tpu.memory_space<semaphore_mem>>) src(%arg11 : memref<32x256xf32, #tpu.memory_space<vmem>>) dst(%dma_wait3A_119 : memref<32x256xf32, #tpu.memory_space<hbm>>)
        %add3A_120 = arith.addi %mul3A_2, %mul3A_114 : i32
        %dma_wait3A_121 = arith.constant 0 : i32
        %dma_wait3A_122 = tpu.memref_slice %arg7[%add3A_120, %dma_wait3A_121] : memref<32768x256xf32, #tpu.memory_space<hbm>> -> memref<32x256xf32, #tpu.memory_space<hbm>>
        %dma_wait3A_123 = arith.constant 0 : i32
        %dma_wait3A_124 = tpu.memref_slice %arg7[%add3A_120, %dma_wait3A_123] : memref<32768x256xf32, #tpu.memory_space<hbm>> -> memref<32x256xf32, #tpu.memory_space<hbm>>
        tpu.wait_dma2 semaphore(%arg21 : memref<!tpu.dma_semaphore, #tpu.memory_space<semaphore_mem>>) src(%arg13 : memref<32x256xf32, #tpu.memory_space<vmem>>) dst(%dma_wait3A_124 : memref<32x256xf32, #tpu.memory_space<hbm>>)
      } else {
      }
      %add3A_46 = arith.constant 1 : i32
      %add3A_47 = arith.addi %add3A_43, %add3A_46 : i32
      %mul3A_48 = arith.constant 32 : i32
      %mul3A_49 = arith.muli %add3A_47, %mul3A_48 : i32
      %dma_start3A_50 = tpu.memref_slice %arg8[%mul3A_49] : memref<1024xi32, #tpu.memory_space<vmem>> -> memref<32xi32, #tpu.memory_space<vmem>>
      %dma_start3A_51 = arith.constant 0 : i32
      %dma_start3A_52 = arith.constant 0 : i32
      %dma_start3A_53 = tpu.memref_slice %arg2[%dma_start3A_51, %dma_start3A_52] : memref<2048x256xf32, #tpu.memory_space<hbm>> -> memref<2048x256xf32, #tpu.memory_space<hbm>>
      tpu.enqueue_indirect_dma source(%dma_start3A_53 : memref<2048x256xf32, #tpu.memory_space<hbm>>) target(%arg11 : memref<32x256xf32, #tpu.memory_space<vmem>>) offsets(%dma_start3A_50 : memref<32xi32, #tpu.memory_space<vmem>>) semaphore(%arg15 : memref<!tpu.dma_semaphore, #tpu.memory_space<semaphore_mem>>)
      %dma_start3A_54 = tpu.memref_slice %arg9[%mul3A_49] : memref<1024xi32, #tpu.memory_space<vmem>> -> memref<32xi32, #tpu.memory_space<vmem>>
      %dma_start3A_55 = arith.constant 0 : i32
      %dma_start3A_56 = arith.constant 0 : i32
      %dma_start3A_57 = tpu.memref_slice %arg3[%dma_start3A_55, %dma_start3A_56] : memref<2048x256xf32, #tpu.memory_space<hbm>> -> memref<2048x256xf32, #tpu.memory_space<hbm>>
      tpu.enqueue_indirect_dma source(%dma_start3A_57 : memref<2048x256xf32, #tpu.memory_space<hbm>>) target(%arg13 : memref<32x256xf32, #tpu.memory_space<vmem>>) offsets(%dma_start3A_54 : memref<32xi32, #tpu.memory_space<vmem>>) semaphore(%arg17 : memref<!tpu.dma_semaphore, #tpu.memory_space<semaphore_mem>>)
      %mul3A_58 = arith.constant 32 : i32
      %mul3A_59 = arith.muli %add3A_43, %mul3A_58 : i32
      %dma_wait3A_60 = tpu.memref_slice %arg8[%mul3A_59] : memref<1024xi32, #tpu.memory_space<vmem>> -> memref<32xi32, #tpu.memory_space<vmem>>
      %dma_wait3A_61 = arith.constant 0 : i32
      %dma_wait3A_62 = arith.constant 0 : i32
      %dma_wait3A_63 = tpu.memref_slice %arg2[%dma_wait3A_61, %dma_wait3A_62] : memref<2048x256xf32, #tpu.memory_space<hbm>> -> memref<2048x256xf32, #tpu.memory_space<hbm>>
      tpu.wait_indirect_dma semaphore(%arg14 : memref<!tpu.dma_semaphore, #tpu.memory_space<semaphore_mem>>) src(%dma_wait3A_63 : memref<2048x256xf32, #tpu.memory_space<hbm>>) dst(%arg10 : memref<32x256xf32, #tpu.memory_space<vmem>>)
      %dma_wait3A_64 = tpu.memref_slice %arg9[%mul3A_59] : memref<1024xi32, #tpu.memory_space<vmem>> -> memref<32xi32, #tpu.memory_space<vmem>>
      %dma_wait3A_65 = arith.constant 0 : i32
      %dma_wait3A_66 = arith.constant 0 : i32
      %dma_wait3A_67 = tpu.memref_slice %arg3[%dma_wait3A_65, %dma_wait3A_66] : memref<2048x256xf32, #tpu.memory_space<hbm>> -> memref<2048x256xf32, #tpu.memory_space<hbm>>
      tpu.wait_indirect_dma semaphore(%arg16 : memref<!tpu.dma_semaphore, #tpu.memory_space<semaphore_mem>>) src(%dma_wait3A_67 : memref<2048x256xf32, #tpu.memory_space<hbm>>) dst(%arg12 : memref<32x256xf32, #tpu.memory_space<vmem>>)
      %mul3A_68 = arith.constant 32 : i32
      %mul3A_69 = arith.muli %add3A_43, %mul3A_68 : i32
      %add3A_70 = arith.addi %mul3A_2, %mul3A_69 : i32
      %dma_start3A_71 = arith.constant 0 : i32
      %dma_start3A_72 = tpu.memref_slice %arg6[%add3A_70, %dma_start3A_71] : memref<32768x256xf32, #tpu.memory_space<hbm>> -> memref<32x256xf32, #tpu.memory_space<hbm>>
      %dma_start3A_73 = arith.constant 0 : i32
      %dma_start3A_74 = tpu.memref_slice %arg6[%add3A_70, %dma_start3A_73] : memref<32768x256xf32, #tpu.memory_space<hbm>> -> memref<32x256xf32, #tpu.memory_space<hbm>>
      tpu.enqueue_dma source(%arg10 : memref<32x256xf32, #tpu.memory_space<vmem>>) target(%dma_start3A_74 : memref<32x256xf32, #tpu.memory_space<hbm>>) target_semaphore(%arg18 : memref<!tpu.dma_semaphore, #tpu.memory_space<semaphore_mem>>)
      %add3A_75 = arith.addi %mul3A_2, %mul3A_69 : i32
      %dma_start3A_76 = arith.constant 0 : i32
      %dma_start3A_77 = tpu.memref_slice %arg7[%add3A_75, %dma_start3A_76] : memref<32768x256xf32, #tpu.memory_space<hbm>> -> memref<32x256xf32, #tpu.memory_space<hbm>>
      %dma_start3A_78 = arith.constant 0 : i32
      %dma_start3A_79 = tpu.memref_slice %arg7[%add3A_75, %dma_start3A_78] : memref<32768x256xf32, #tpu.memory_space<hbm>> -> memref<32x256xf32, #tpu.memory_space<hbm>>
      tpu.enqueue_dma source(%arg12 : memref<32x256xf32, #tpu.memory_space<vmem>>) target(%dma_start3A_79 : memref<32x256xf32, #tpu.memory_space<hbm>>) target_semaphore(%arg20 : memref<!tpu.dma_semaphore, #tpu.memory_space<semaphore_mem>>)
      %add3A_80 = arith.constant 2 : i32
      %add3A_81 = arith.addi %add3A_43, %add3A_80 : i32
      %lt3A = arith.constant 32 : i32
      %lt3A_82 = arith.cmpi slt, %add3A_81, %lt3A : i32
      %convert_element_type3A_83 = arith.extui %lt3A_82 : i1 to i32
      %cond3A_84 = arith.constant 0 : i32
      %cond3A_85 = arith.cmpi ne, %convert_element_type3A_83, %cond3A_84 : i32
      scf.if %cond3A_85 {
        %mul3A_112 = arith.constant 32 : i32
        %mul3A_113 = arith.muli %add3A_43, %mul3A_112 : i32
        %add3A_114 = arith.addi %mul3A_2, %mul3A_113 : i32
        %dma_wait3A_115 = arith.constant 0 : i32
        %dma_wait3A_116 = tpu.memref_slice %arg6[%add3A_114, %dma_wait3A_115] : memref<32768x256xf32, #tpu.memory_space<hbm>> -> memref<32x256xf32, #tpu.memory_space<hbm>>
        %dma_wait3A_117 = arith.constant 0 : i32
        %dma_wait3A_118 = tpu.memref_slice %arg6[%add3A_114, %dma_wait3A_117] : memref<32768x256xf32, #tpu.memory_space<hbm>> -> memref<32x256xf32, #tpu.memory_space<hbm>>
        tpu.wait_dma2 semaphore(%arg18 : memref<!tpu.dma_semaphore, #tpu.memory_space<semaphore_mem>>) src(%arg10 : memref<32x256xf32, #tpu.memory_space<vmem>>) dst(%dma_wait3A_118 : memref<32x256xf32, #tpu.memory_space<hbm>>)
        %add3A_119 = arith.addi %mul3A_2, %mul3A_113 : i32
        %dma_wait3A_120 = arith.constant 0 : i32
        %dma_wait3A_121 = tpu.memref_slice %arg7[%add3A_119, %dma_wait3A_120] : memref<32768x256xf32, #tpu.memory_space<hbm>> -> memref<32x256xf32, #tpu.memory_space<hbm>>
        %dma_wait3A_122 = arith.constant 0 : i32
        %dma_wait3A_123 = tpu.memref_slice %arg7[%add3A_119, %dma_wait3A_122] : memref<32768x256xf32, #tpu.memory_space<hbm>> -> memref<32x256xf32, #tpu.memory_space<hbm>>
        tpu.wait_dma2 semaphore(%arg20 : memref<!tpu.dma_semaphore, #tpu.memory_space<semaphore_mem>>) src(%arg12 : memref<32x256xf32, #tpu.memory_space<vmem>>) dst(%dma_wait3A_123 : memref<32x256xf32, #tpu.memory_space<hbm>>)
        %add3A_124 = arith.constant 2 : i32
        %add3A_125 = arith.addi %add3A_43, %add3A_124 : i32
        %mul3A_126 = arith.constant 32 : i32
        %mul3A_127 = arith.muli %add3A_125, %mul3A_126 : i32
        %dma_start3A_128 = tpu.memref_slice %arg8[%mul3A_127] : memref<1024xi32, #tpu.memory_space<vmem>> -> memref<32xi32, #tpu.memory_space<vmem>>
        %dma_start3A_129 = arith.constant 0 : i32
        %dma_start3A_130 = arith.constant 0 : i32
        %dma_start3A_131 = tpu.memref_slice %arg2[%dma_start3A_129, %dma_start3A_130] : memref<2048x256xf32, #tpu.memory_space<hbm>> -> memref<2048x256xf32, #tpu.memory_space<hbm>>
        tpu.enqueue_indirect_dma source(%dma_start3A_131 : memref<2048x256xf32, #tpu.memory_space<hbm>>) target(%arg10 : memref<32x256xf32, #tpu.memory_space<vmem>>) offsets(%dma_start3A_128 : memref<32xi32, #tpu.memory_space<vmem>>) semaphore(%arg14 : memref<!tpu.dma_semaphore, #tpu.memory_space<semaphore_mem>>)
        %dma_start3A_132 = tpu.memref_slice %arg9[%mul3A_127] : memref<1024xi32, #tpu.memory_space<vmem>> -> memref<32xi32, #tpu.memory_space<vmem>>
        %dma_start3A_133 = arith.constant 0 : i32
        %dma_start3A_134 = arith.constant 0 : i32
        %dma_start3A_135 = tpu.memref_slice %arg3[%dma_start3A_133, %dma_start3A_134] : memref<2048x256xf32, #tpu.memory_space<hbm>> -> memref<2048x256xf32, #tpu.memory_space<hbm>>
        tpu.enqueue_indirect_dma source(%dma_start3A_135 : memref<2048x256xf32, #tpu.memory_space<hbm>>) target(%arg12 : memref<32x256xf32, #tpu.memory_space<vmem>>) offsets(%dma_start3A_132 : memref<32xi32, #tpu.memory_space<vmem>>) semaphore(%arg16 : memref<!tpu.dma_semaphore, #tpu.memory_space<semaphore_mem>>)
      } else {
      }
      %add3A_86 = arith.constant 1 : i32
      %add3A_87 = arith.addi %add3A_43, %add3A_86 : i32
      %mul3A_88 = arith.constant 32 : i32
      %mul3A_89 = arith.muli %add3A_87, %mul3A_88 : i32
      %dma_wait3A_90 = tpu.memref_slice %arg8[%mul3A_89] : memref<1024xi32, #tpu.memory_space<vmem>> -> memref<32xi32, #tpu.memory_space<vmem>>
      %dma_wait3A_91 = arith.constant 0 : i32
      %dma_wait3A_92 = arith.constant 0 : i32
      %dma_wait3A_93 = tpu.memref_slice %arg2[%dma_wait3A_91, %dma_wait3A_92] : memref<2048x256xf32, #tpu.memory_space<hbm>> -> memref<2048x256xf32, #tpu.memory_space<hbm>>
      tpu.wait_indirect_dma semaphore(%arg15 : memref<!tpu.dma_semaphore, #tpu.memory_space<semaphore_mem>>) src(%dma_wait3A_93 : memref<2048x256xf32, #tpu.memory_space<hbm>>) dst(%arg11 : memref<32x256xf32, #tpu.memory_space<vmem>>)
      %dma_wait3A_94 = tpu.memref_slice %arg9[%mul3A_89] : memref<1024xi32, #tpu.memory_space<vmem>> -> memref<32xi32, #tpu.memory_space<vmem>>
      %dma_wait3A_95 = arith.constant 0 : i32
      %dma_wait3A_96 = arith.constant 0 : i32
      %dma_wait3A_97 = tpu.memref_slice %arg3[%dma_wait3A_95, %dma_wait3A_96] : memref<2048x256xf32, #tpu.memory_space<hbm>> -> memref<2048x256xf32, #tpu.memory_space<hbm>>
      tpu.wait_indirect_dma semaphore(%arg17 : memref<!tpu.dma_semaphore, #tpu.memory_space<semaphore_mem>>) src(%dma_wait3A_97 : memref<2048x256xf32, #tpu.memory_space<hbm>>) dst(%arg13 : memref<32x256xf32, #tpu.memory_space<vmem>>)
      %add3A_98 = arith.constant 1 : i32
      %add3A_99 = arith.addi %add3A_43, %add3A_98 : i32
      %mul3A_100 = arith.constant 32 : i32
      %mul3A_101 = arith.muli %add3A_99, %mul3A_100 : i32
      %add3A_102 = arith.addi %mul3A_2, %mul3A_101 : i32
      %dma_start3A_103 = arith.constant 0 : i32
      %dma_start3A_104 = tpu.memref_slice %arg6[%add3A_102, %dma_start3A_103] : memref<32768x256xf32, #tpu.memory_space<hbm>> -> memref<32x256xf32, #tpu.memory_space<hbm>>
      %dma_start3A_105 = arith.constant 0 : i32
      %dma_start3A_106 = tpu.memref_slice %arg6[%add3A_102, %dma_start3A_105] : memref<32768x256xf32, #tpu.memory_space<hbm>> -> memref<32x256xf32, #tpu.memory_space<hbm>>
      tpu.enqueue_dma source(%arg11 : memref<32x256xf32, #tpu.memory_space<vmem>>) target(%dma_start3A_106 : memref<32x256xf32, #tpu.memory_space<hbm>>) target_semaphore(%arg19 : memref<!tpu.dma_semaphore, #tpu.memory_space<semaphore_mem>>)
      %add3A_107 = arith.addi %mul3A_2, %mul3A_101 : i32
      %dma_start3A_108 = arith.constant 0 : i32
      %dma_start3A_109 = tpu.memref_slice %arg7[%add3A_107, %dma_start3A_108] : memref<32768x256xf32, #tpu.memory_space<hbm>> -> memref<32x256xf32, #tpu.memory_space<hbm>>
      %dma_start3A_110 = arith.constant 0 : i32
      %dma_start3A_111 = tpu.memref_slice %arg7[%add3A_107, %dma_start3A_110] : memref<32768x256xf32, #tpu.memory_space<hbm>> -> memref<32x256xf32, #tpu.memory_space<hbm>>
      tpu.enqueue_dma source(%arg13 : memref<32x256xf32, #tpu.memory_space<vmem>>) target(%dma_start3A_111 : memref<32x256xf32, #tpu.memory_space<hbm>>) target_semaphore(%arg21 : memref<!tpu.dma_semaphore, #tpu.memory_space<semaphore_mem>>)
    }
    %scan3A_15 = arith.constant 16 : i32
    %add3A_16 = arith.constant 960 : i32
    %add3A_17 = arith.addi %mul3A_2, %add3A_16 : i32
    %dma_wait3A = arith.constant 0 : i32
    %dma_wait3A_18 = tpu.memref_slice %arg6[%add3A_17, %dma_wait3A] : memref<32768x256xf32, #tpu.memory_space<hbm>> -> memref<32x256xf32, #tpu.memory_space<hbm>>
    %dma_wait3A_19 = arith.constant 0 : i32
    %dma_wait3A_20 = tpu.memref_slice %arg6[%add3A_17, %dma_wait3A_19] : memref<32768x256xf32, #tpu.memory_space<hbm>> -> memref<32x256xf32, #tpu.memory_space<hbm>>
    tpu.wait_dma2 semaphore(%arg18 : memref<!tpu.dma_semaphore, #tpu.memory_space<semaphore_mem>>) src(%arg10 : memref<32x256xf32, #tpu.memory_space<vmem>>) dst(%dma_wait3A_20 : memref<32x256xf32, #tpu.memory_space<hbm>>)
    %add3A_21 = arith.constant 960 : i32
    %add3A_22 = arith.addi %mul3A_2, %add3A_21 : i32
    %dma_wait3A_23 = arith.constant 0 : i32
    %dma_wait3A_24 = tpu.memref_slice %arg7[%add3A_22, %dma_wait3A_23] : memref<32768x256xf32, #tpu.memory_space<hbm>> -> memref<32x256xf32, #tpu.memory_space<hbm>>
    %dma_wait3A_25 = arith.constant 0 : i32
    %dma_wait3A_26 = tpu.memref_slice %arg7[%add3A_22, %dma_wait3A_25] : memref<32768x256xf32, #tpu.memory_space<hbm>> -> memref<32x256xf32, #tpu.memory_space<hbm>>
    tpu.wait_dma2 semaphore(%arg20 : memref<!tpu.dma_semaphore, #tpu.memory_space<semaphore_mem>>) src(%arg12 : memref<32x256xf32, #tpu.memory_space<vmem>>) dst(%dma_wait3A_26 : memref<32x256xf32, #tpu.memory_space<hbm>>)
    %add3A_27 = arith.constant 992 : i32
    %add3A_28 = arith.addi %mul3A_2, %add3A_27 : i32
    %dma_wait3A_29 = arith.constant 0 : i32
    %dma_wait3A_30 = tpu.memref_slice %arg6[%add3A_28, %dma_wait3A_29] : memref<32768x256xf32, #tpu.memory_space<hbm>> -> memref<32x256xf32, #tpu.memory_space<hbm>>
    %dma_wait3A_31 = arith.constant 0 : i32
    %dma_wait3A_32 = tpu.memref_slice %arg6[%add3A_28, %dma_wait3A_31] : memref<32768x256xf32, #tpu.memory_space<hbm>> -> memref<32x256xf32, #tpu.memory_space<hbm>>
    tpu.wait_dma2 semaphore(%arg19 : memref<!tpu.dma_semaphore, #tpu.memory_space<semaphore_mem>>) src(%arg11 : memref<32x256xf32, #tpu.memory_space<vmem>>) dst(%dma_wait3A_32 : memref<32x256xf32, #tpu.memory_space<hbm>>)
    %add3A_33 = arith.constant 992 : i32
    %add3A_34 = arith.addi %mul3A_2, %add3A_33 : i32
    %dma_wait3A_35 = arith.constant 0 : i32
    %dma_wait3A_36 = tpu.memref_slice %arg7[%add3A_34, %dma_wait3A_35] : memref<32768x256xf32, #tpu.memory_space<hbm>> -> memref<32x256xf32, #tpu.memory_space<hbm>>
    %dma_wait3A_37 = arith.constant 0 : i32
    %dma_wait3A_38 = tpu.memref_slice %arg7[%add3A_34, %dma_wait3A_37] : memref<32768x256xf32, #tpu.memory_space<hbm>> -> memref<32x256xf32, #tpu.memory_space<hbm>>
    tpu.wait_dma2 semaphore(%arg21 : memref<!tpu.dma_semaphore, #tpu.memory_space<semaphore_mem>>) src(%arg13 : memref<32x256xf32, #tpu.memory_space<vmem>>) dst(%dma_wait3A_38 : memref<32x256xf32, #tpu.memory_space<hbm>>)
    return
  }
}

module attributes {stable_mosaic.version = 14 : i64} {
  func.func @_k1_body(%arg0: i32, %arg1: memref<256x1024xf32, #tpu.memory_space<vmem>>, %arg2: memref<1024x512xf32, #tpu.memory_space<vmem>>, %arg3: memref<1x512xf32, #tpu.memory_space<vmem>>, %arg4: memref<1024x512xf32, #tpu.memory_space<vmem>>, %arg5: memref<1x512xf32, #tpu.memory_space<vmem>>, %arg6: memref<1024x512xf32, #tpu.memory_space<vmem>>, %arg7: memref<1x512xf32, #tpu.memory_space<vmem>>, %arg8: memref<256x256xf32, #tpu.memory_space<vmem>>, %arg9: memref<256x256xf32, #tpu.memory_space<vmem>>, %arg10: memref<256x512xf32, #tpu.memory_space<vmem>>) attributes {dimension_semantics = [#tpu.dimension_semantics<arbitrary>], iteration_bounds = array<i64: 8>, scalar_prefetch = 0 : i64, scratch_operands = 0 : i64, tpu.core_type = #tpu.core_type<tc>, window_params = [{transform_indices = @transform_0, window_bounds = array<i64: 256, 1024>}, {pipeline_mode = #tpu.pipeline_mode<synchronous>, transform_indices = @transform_1, window_bounds = array<i64: 1024, 512>}, {pipeline_mode = #tpu.pipeline_mode<synchronous>, transform_indices = @transform_2, window_bounds = array<i64: 1, 512>}, {pipeline_mode = #tpu.pipeline_mode<synchronous>, transform_indices = @transform_3, window_bounds = array<i64: 1024, 512>}, {pipeline_mode = #tpu.pipeline_mode<synchronous>, transform_indices = @transform_4, window_bounds = array<i64: 1, 512>}, {pipeline_mode = #tpu.pipeline_mode<synchronous>, transform_indices = @transform_5, window_bounds = array<i64: 1024, 512>}, {pipeline_mode = #tpu.pipeline_mode<synchronous>, transform_indices = @transform_6, window_bounds = array<i64: 1, 512>}, {transform_indices = @transform_7, window_bounds = array<i64: 256, 256>}, {transform_indices = @transform_8, window_bounds = array<i64: 256, 256>}, {transform_indices = @transform_9, window_bounds = array<i64: 256, 512>}]} {
    %get3A = arith.constant 0 : index
    %get3A_0 = arith.constant 0 : index
    %get3A_1 = vector.load %arg1[%get3A, %get3A_0] : memref<256x1024xf32, #tpu.memory_space<vmem>>, vector<256x1024xf32>
    %get3A_2 = arith.constant 0 : index
    %get3A_3 = arith.constant 0 : index
    %get3A_4 = vector.load %arg2[%get3A_2, %get3A_3] : memref<1024x512xf32, #tpu.memory_space<vmem>>, vector<1024x512xf32>
    %dot_general3A = arith.constant dense<0.000000e+00> : vector<256x512xf32>
    %dot_general3A_5 = tpu.matmul %get3A_1, %get3A_4, %dot_general3A {dimension_numbers = #tpu.dot_dimension_numbers<[1], [0], [0], [1], [0, 0, 1, 1], [], []>, transpose_lhs_hint = false} : vector<256x1024xf32>, vector<1024x512xf32>, vector<256x512xf32> -> vector<256x512xf32>
    %get3A_6 = arith.constant 0 : index
    %get3A_7 = arith.constant 0 : index
    %get3A_8 = vector.load %arg3[%get3A_6, %get3A_7] : memref<1x512xf32, #tpu.memory_space<vmem>>, vector<1x512xf32>
    %add3A = vector.broadcast %get3A_8 : vector<1x512xf32> to vector<256x512xf32>
    %add3A_9 = arith.addf %dot_general3A_5, %add3A : vector<256x512xf32>
    %max3A = arith.constant 0.000000e+00 : f32
    %max3A_10 = vector.broadcast %max3A : f32 to vector<256x512xf32>
    %max3A_11 = arith.maximumf %add3A_9, %max3A_10 : vector<256x512xf32>
    %slice3A = vector.extract_strided_slice %max3A_11 {offsets = [0, 256], sizes = [256, 256], strides = [1, 1]} : vector<256x512xf32> to vector<256x256xf32>
    %convert_element_type3A = arith.truncf %slice3A : vector<256x256xf32> to vector<256x256xbf16>
    %bitcast_convert_type3A = tpu.bitcast %convert_element_type3A : vector<256x256xbf16> -> vector<256x256xi16>
    %convert_element_type3A_12 = arith.extui %bitcast_convert_type3A : vector<256x256xi16> to vector<256x256xi32>
    %slice3A_13 = vector.extract_strided_slice %max3A_11 {offsets = [0, 0], sizes = [256, 256], strides = [1, 1]} : vector<256x512xf32> to vector<256x256xf32>
    %convert_element_type3A_14 = arith.truncf %slice3A_13 : vector<256x256xf32> to vector<256x256xbf16>
    %bitcast_convert_type3A_15 = tpu.bitcast %convert_element_type3A_14 : vector<256x256xbf16> -> vector<256x256xi16>
    %convert_element_type3A_16 = arith.extui %bitcast_convert_type3A_15 : vector<256x256xi16> to vector<256x256xi32>
    %shift_left3A = arith.constant 16 : i32
    %shift_left3A_17 = vector.broadcast %shift_left3A : i32 to vector<256x256xi32>
    %shift_left3A_18 = arith.shli %convert_element_type3A_12, %shift_left3A_17 : vector<256x256xi32>
    %or3A = arith.ori %shift_left3A_18, %convert_element_type3A_16 : vector<256x256xi32>
    %bitcast_convert_type3A_19 = tpu.bitcast %or3A : vector<256x256xi32> -> vector<256x256xf32>
    %swap3A = arith.constant 0 : index
    %swap3A_20 = arith.constant 0 : index
    %swap3A_21 = vector.load %arg8[%swap3A, %swap3A_20] : memref<256x256xf32, #tpu.memory_space<vmem>>, vector<256x256xf32>
    tpu.vector_store %arg8[%swap3A, %swap3A_20], %bitcast_convert_type3A_19 {strides = array<i32>} : memref<256x256xf32, #tpu.memory_space<vmem>>, vector<256x256xf32>,
    %get3A_22 = arith.constant 0 : index
    %get3A_23 = arith.constant 0 : index
    %get3A_24 = vector.load %arg4[%get3A_22, %get3A_23] : memref<1024x512xf32, #tpu.memory_space<vmem>>, vector<1024x512xf32>
    %dot_general3A_25 = arith.constant dense<0.000000e+00> : vector<256x512xf32>
    %dot_general3A_26 = tpu.matmul %get3A_1, %get3A_24, %dot_general3A_25 {dimension_numbers = #tpu.dot_dimension_numbers<[1], [0], [0], [1], [0, 0, 1, 1], [], []>, transpose_lhs_hint = false} : vector<256x1024xf32>, vector<1024x512xf32>, vector<256x512xf32> -> vector<256x512xf32>
    %get3A_27 = arith.constant 0 : index
    %get3A_28 = arith.constant 0 : index
    %get3A_29 = vector.load %arg5[%get3A_27, %get3A_28] : memref<1x512xf32, #tpu.memory_space<vmem>>, vector<1x512xf32>
    %add3A_30 = vector.broadcast %get3A_29 : vector<1x512xf32> to vector<256x512xf32>
    %add3A_31 = arith.addf %dot_general3A_26, %add3A_30 : vector<256x512xf32>
    %max3A_32 = arith.constant 0.000000e+00 : f32
    %max3A_33 = vector.broadcast %max3A_32 : f32 to vector<256x512xf32>
    %max3A_34 = arith.maximumf %add3A_31, %max3A_33 : vector<256x512xf32>
    %slice3A_35 = vector.extract_strided_slice %max3A_34 {offsets = [0, 256], sizes = [256, 256], strides = [1, 1]} : vector<256x512xf32> to vector<256x256xf32>
    %convert_element_type3A_36 = arith.truncf %slice3A_35 : vector<256x256xf32> to vector<256x256xbf16>
    %bitcast_convert_type3A_37 = tpu.bitcast %convert_element_type3A_36 : vector<256x256xbf16> -> vector<256x256xi16>
    %convert_element_type3A_38 = arith.extui %bitcast_convert_type3A_37 : vector<256x256xi16> to vector<256x256xi32>
    %slice3A_39 = vector.extract_strided_slice %max3A_34 {offsets = [0, 0], sizes = [256, 256], strides = [1, 1]} : vector<256x512xf32> to vector<256x256xf32>
    %convert_element_type3A_40 = arith.truncf %slice3A_39 : vector<256x256xf32> to vector<256x256xbf16>
    %bitcast_convert_type3A_41 = tpu.bitcast %convert_element_type3A_40 : vector<256x256xbf16> -> vector<256x256xi16>
    %convert_element_type3A_42 = arith.extui %bitcast_convert_type3A_41 : vector<256x256xi16> to vector<256x256xi32>
    %shift_left3A_43 = arith.constant 16 : i32
    %shift_left3A_44 = vector.broadcast %shift_left3A_43 : i32 to vector<256x256xi32>
    %shift_left3A_45 = arith.shli %convert_element_type3A_38, %shift_left3A_44 : vector<256x256xi32>
    %or3A_46 = arith.ori %shift_left3A_45, %convert_element_type3A_42 : vector<256x256xi32>
    %bitcast_convert_type3A_47 = tpu.bitcast %or3A_46 : vector<256x256xi32> -> vector<256x256xf32>
    %swap3A_48 = arith.constant 0 : index
    %swap3A_49 = arith.constant 0 : index
    %swap3A_50 = vector.load %arg9[%swap3A_48, %swap3A_49] : memref<256x256xf32, #tpu.memory_space<vmem>>, vector<256x256xf32>
    tpu.vector_store %arg9[%swap3A_48, %swap3A_49], %bitcast_convert_type3A_47 {strides = array<i32>} : memref<256x256xf32, #tpu.memory_space<vmem>>, vector<256x256xf32>,
    %get3A_51 = arith.constant 0 : index
    %get3A_52 = arith.constant 0 : index
    %get3A_53 = vector.load %arg6[%get3A_51, %get3A_52] : memref<1024x512xf32, #tpu.memory_space<vmem>>, vector<1024x512xf32>
    %dot_general3A_54 = arith.constant dense<0.000000e+00> : vector<256x512xf32>
    %dot_general3A_55 = tpu.matmul %get3A_1, %get3A_53, %dot_general3A_54 {dimension_numbers = #tpu.dot_dimension_numbers<[1], [0], [0], [1], [0, 0, 1, 1], [], []>, transpose_lhs_hint = false} : vector<256x1024xf32>, vector<1024x512xf32>, vector<256x512xf32> -> vector<256x512xf32>
    %get3A_56 = arith.constant 0 : index
    %get3A_57 = arith.constant 0 : index
    %get3A_58 = vector.load %arg7[%get3A_56, %get3A_57] : memref<1x512xf32, #tpu.memory_space<vmem>>, vector<1x512xf32>
    %add3A_59 = vector.broadcast %get3A_58 : vector<1x512xf32> to vector<256x512xf32>
    %add3A_60 = arith.addf %dot_general3A_55, %add3A_59 : vector<256x512xf32>
    %swap3A_61 = arith.constant 0 : index
    %swap3A_62 = arith.constant 0 : index
    %swap3A_63 = vector.load %arg10[%swap3A_61, %swap3A_62] : memref<256x512xf32, #tpu.memory_space<vmem>>, vector<256x512xf32>
    tpu.vector_store %arg10[%swap3A_61, %swap3A_62], %add3A_60 {strides = array<i32>} : memref<256x512xf32, #tpu.memory_space<vmem>>, vector<256x512xf32>,
    return
  }
  func.func @transform_0(%arg0: i32) -> (i32, i32) {
    %c0_i32 = arith.constant 0 : i32
    %c0_i32_0 = arith.constant 0 : i32
    return %arg0, %c0_i32 : i32, i32
  }
  func.func @transform_1(%arg0: i32) -> (i32, i32) {
    %c0_i32 = arith.constant 0 : i32
    %c0_i32_0 = arith.constant 0 : i32
    %c0_i32_1 = arith.constant 0 : i32
    return %c0_i32, %c0_i32_0 : i32, i32
  }
  func.func @transform_2(%arg0: i32) -> (i32, i32) {
    %c0_i32 = arith.constant 0 : i32
    %c0_i32_0 = arith.constant 0 : i32
    %c0_i32_1 = arith.constant 0 : i32
    return %c0_i32, %c0_i32_0 : i32, i32
  }
  func.func @transform_3(%arg0: i32) -> (i32, i32) {
    %c0_i32 = arith.constant 0 : i32
    %c0_i32_0 = arith.constant 0 : i32
    %c0_i32_1 = arith.constant 0 : i32
    return %c0_i32, %c0_i32_0 : i32, i32
  }
  func.func @transform_4(%arg0: i32) -> (i32, i32) {
    %c0_i32 = arith.constant 0 : i32
    %c0_i32_0 = arith.constant 0 : i32
    %c0_i32_1 = arith.constant 0 : i32
    return %c0_i32, %c0_i32_0 : i32, i32
  }
  func.func @transform_5(%arg0: i32) -> (i32, i32) {
    %c0_i32 = arith.constant 0 : i32
    %c0_i32_0 = arith.constant 0 : i32
    %c0_i32_1 = arith.constant 0 : i32
    return %c0_i32, %c0_i32_0 : i32, i32
  }
  func.func @transform_6(%arg0: i32) -> (i32, i32) {
    %c0_i32 = arith.constant 0 : i32
    %c0_i32_0 = arith.constant 0 : i32
    %c0_i32_1 = arith.constant 0 : i32
    return %c0_i32, %c0_i32_0 : i32, i32
  }
  func.func @transform_7(%arg0: i32) -> (i32, i32) {
    %c0_i32 = arith.constant 0 : i32
    %c0_i32_0 = arith.constant 0 : i32
    return %arg0, %c0_i32 : i32, i32
  }
  func.func @transform_8(%arg0: i32) -> (i32, i32) {
    %c0_i32 = arith.constant 0 : i32
    %c0_i32_0 = arith.constant 0 : i32
    return %arg0, %c0_i32 : i32, i32
  }
  func.func @transform_9(%arg0: i32) -> (i32, i32) {
    %c0_i32 = arith.constant 0 : i32
    %c0_i32_0 = arith.constant 0 : i32
    return %arg0, %c0_i32 : i32, i32
  }
}

module attributes {stable_mosaic.version = 14 : i64} {
  func.func @_k2_body(%arg0: i32, %arg1: memref<1024x1024xf32, #tpu.memory_space<vmem>>, %arg2: memref<1024x256xf32, #tpu.memory_space<vmem>>, %arg3: memref<1024x256xf32, #tpu.memory_space<vmem>>, %arg4: memref<1x1x1024xf32, #tpu.memory_space<vmem>>, %arg5: memref<1024x512xf32, #tpu.memory_space<vmem>>, %arg6: memref<1x512xf32, #tpu.memory_space<vmem>>, %arg7: memref<512x32xf32, #tpu.memory_space<vmem>>, %arg8: memref<1x32xf32, #tpu.memory_space<vmem>>, %arg9: memref<1x1x1024xf32, #tpu.memory_space<vmem>>, %arg10: memref<1x1xf32, #tpu.memory_space<smem>>) attributes {dimension_semantics = [#tpu.dimension_semantics<arbitrary>], iteration_bounds = array<i64: 32>, scalar_prefetch = 0 : i64, scratch_operands = 0 : i64, tpu.core_type = #tpu.core_type<tc>, window_params = [{transform_indices = @transform_0, window_bounds = array<i64: 1024, 1024>}, {transform_indices = @transform_1, window_bounds = array<i64: 1024, 256>}, {transform_indices = @transform_2, window_bounds = array<i64: 1024, 256>}, {transform_indices = @transform_3, window_bounds = array<i64: 1, 1, 1024>}, {pipeline_mode = #tpu.pipeline_mode<synchronous>, transform_indices = @transform_4, window_bounds = array<i64: 1024, 512>}, {pipeline_mode = #tpu.pipeline_mode<synchronous>, transform_indices = @transform_5, window_bounds = array<i64: 1, 512>}, {pipeline_mode = #tpu.pipeline_mode<synchronous>, transform_indices = @transform_6, window_bounds = array<i64: 512, 32>}, {pipeline_mode = #tpu.pipeline_mode<synchronous>, transform_indices = @transform_7, window_bounds = array<i64: 1, 32>}, {transform_indices = @transform_8, window_bounds = array<i64: 1, 1, 1024>}, {transform_indices = @transform_9, window_bounds = array<i64: 1, 1>}]} {
    %get3A = arith.constant 0 : index
    %get3A_0 = arith.constant 0 : index
    %get3A_1 = vector.load %arg1[%get3A, %get3A_0] : memref<1024x1024xf32, #tpu.memory_space<vmem>>, vector<1024x1024xf32>
    %get3A_2 = arith.constant 0 : index
    %get3A_3 = arith.constant 0 : index
    %get3A_4 = vector.load %arg5[%get3A_2, %get3A_3] : memref<1024x512xf32, #tpu.memory_space<vmem>>, vector<1024x512xf32>
    %dot_general3A = arith.constant dense<0.000000e+00> : vector<1024x512xf32>
    %dot_general3A_5 = tpu.matmul %get3A_1, %get3A_4, %dot_general3A {dimension_numbers = #tpu.dot_dimension_numbers<[1], [0], [0], [1], [0, 0, 1, 1], [], []>, transpose_lhs_hint = false} : vector<1024x1024xf32>, vector<1024x512xf32>, vector<1024x512xf32> -> vector<1024x512xf32>
    %get3A_6 = arith.constant 0 : index
    %get3A_7 = arith.constant 0 : index
    %get3A_8 = vector.load %arg6[%get3A_6, %get3A_7] : memref<1x512xf32, #tpu.memory_space<vmem>>, vector<1x512xf32>
    %add3A = vector.broadcast %get3A_8 : vector<1x512xf32> to vector<1024x512xf32>
    %add3A_9 = arith.addf %dot_general3A_5, %add3A : vector<1024x512xf32>
    %max3A = arith.constant 0.000000e+00 : f32
    %max3A_10 = vector.broadcast %max3A : f32 to vector<1024x512xf32>
    %max3A_11 = arith.maximumf %add3A_9, %max3A_10 : vector<1024x512xf32>
    %get3A_12 = arith.constant 0 : index
    %get3A_13 = arith.constant 0 : index
    %get3A_14 = vector.load %arg2[%get3A_12, %get3A_13] : memref<1024x256xf32, #tpu.memory_space<vmem>>, vector<1024x256xf32>
    %bitcast_convert_type3A = tpu.bitcast %get3A_14 : vector<1024x256xf32> -> vector<1024x256xi32>
    %and3A = arith.constant 65535 : i32
    %and3A_15 = vector.broadcast %and3A : i32 to vector<1024x256xi32>
    %and3A_16 = arith.andi %bitcast_convert_type3A, %and3A_15 : vector<1024x256xi32>
    %convert_element_type3A = arith.trunci %and3A_16 : vector<1024x256xi32> to vector<1024x256xi16>
    %bitcast_convert_type3A_17 = tpu.bitcast %convert_element_type3A : vector<1024x256xi16> -> vector<1024x256xbf16>
    %convert_element_type3A_18 = arith.extf %bitcast_convert_type3A_17 : vector<1024x256xbf16> to vector<1024x256xf32>
    %shift_right_logical3A = arith.constant 16 : i32
    %shift_right_logical3A_19 = vector.broadcast %shift_right_logical3A : i32 to vector<1024x256xi32>
    %shift_right_logical3A_20 = arith.shrui %bitcast_convert_type3A, %shift_right_logical3A_19 : vector<1024x256xi32>
    %convert_element_type3A_21 = arith.trunci %shift_right_logical3A_20 : vector<1024x256xi32> to vector<1024x256xi16>
    %bitcast_convert_type3A_22 = tpu.bitcast %convert_element_type3A_21 : vector<1024x256xi16> -> vector<1024x256xbf16>
    %convert_element_type3A_23 = arith.extf %bitcast_convert_type3A_22 : vector<1024x256xbf16> to vector<1024x256xf32>
    %get3A_24 = arith.constant 0 : index
    %get3A_25 = arith.constant 0 : index
    %get3A_26 = vector.load %arg3[%get3A_24, %get3A_25] : memref<1024x256xf32, #tpu.memory_space<vmem>>, vector<1024x256xf32>
    %bitcast_convert_type3A_27 = tpu.bitcast %get3A_26 : vector<1024x256xf32> -> vector<1024x256xi32>
    %and3A_28 = arith.constant 65535 : i32
    %and3A_29 = vector.broadcast %and3A_28 : i32 to vector<1024x256xi32>
    %and3A_30 = arith.andi %bitcast_convert_type3A_27, %and3A_29 : vector<1024x256xi32>
    %convert_element_type3A_31 = arith.trunci %and3A_30 : vector<1024x256xi32> to vector<1024x256xi16>
    %bitcast_convert_type3A_32 = tpu.bitcast %convert_element_type3A_31 : vector<1024x256xi16> -> vector<1024x256xbf16>
    %convert_element_type3A_33 = arith.extf %bitcast_convert_type3A_32 : vector<1024x256xbf16> to vector<1024x256xf32>
    %shift_right_logical3A_34 = arith.constant 16 : i32
    %shift_right_logical3A_35 = vector.broadcast %shift_right_logical3A_34 : i32 to vector<1024x256xi32>
    %shift_right_logical3A_36 = arith.shrui %bitcast_convert_type3A_27, %shift_right_logical3A_35 : vector<1024x256xi32>
    %convert_element_type3A_37 = arith.trunci %shift_right_logical3A_36 : vector<1024x256xi32> to vector<1024x256xi16>
    %bitcast_convert_type3A_38 = tpu.bitcast %convert_element_type3A_37 : vector<1024x256xi16> -> vector<1024x256xbf16>
    %convert_element_type3A_39 = arith.extf %bitcast_convert_type3A_38 : vector<1024x256xbf16> to vector<1024x256xf32>
    %mul3A = arith.mulf %convert_element_type3A_18, %convert_element_type3A_33 : vector<1024x256xf32>
    %slice3A = vector.extract_strided_slice %max3A_11 {offsets = [0, 0], sizes = [1024, 256], strides = [1, 1]} : vector<1024x512xf32> to vector<1024x256xf32>
    %mul3A_40 = arith.mulf %mul3A, %slice3A : vector<1024x256xf32>
    %mul3A_41 = arith.mulf %convert_element_type3A_23, %convert_element_type3A_39 : vector<1024x256xf32>
    %slice3A_42 = vector.extract_strided_slice %max3A_11 {offsets = [0, 256], sizes = [1024, 256], strides = [1, 1]} : vector<1024x512xf32> to vector<1024x256xf32>
    %mul3A_43 = arith.mulf %mul3A_41, %slice3A_42 : vector<1024x256xf32>
    %get3A_44 = arith.constant 0 : index
    %get3A_45 = arith.constant 0 : index
    %get3A_46 = vector.load %arg7[%get3A_44, %get3A_45] : memref<512x32xf32, #tpu.memory_space<vmem>>, vector<256x32xf32>
    %dot_general3A_47 = arith.constant dense<0.000000e+00> : vector<1024x32xf32>
    %dot_general3A_48 = tpu.matmul %mul3A_40, %get3A_46, %dot_general3A_47 {dimension_numbers = #tpu.dot_dimension_numbers<[1], [0], [0], [1], [0, 0, 1, 1], [], []>, transpose_lhs_hint = false} : vector<1024x256xf32>, vector<256x32xf32>, vector<1024x32xf32> -> vector<1024x32xf32>
    %get3A_49 = arith.constant 256 : index
    %get3A_50 = arith.constant 0 : index
    %get3A_51 = vector.load %arg7[%get3A_49, %get3A_50] : memref<512x32xf32, #tpu.memory_space<vmem>>, vector<256x32xf32>
    %dot_general3A_52 = arith.constant dense<0.000000e+00> : vector<1024x32xf32>
    %dot_general3A_53 = tpu.matmul %mul3A_43, %get3A_51, %dot_general3A_52 {dimension_numbers = #tpu.dot_dimension_numbers<[1], [0], [0], [1], [0, 0, 1, 1], [], []>, transpose_lhs_hint = false} : vector<1024x256xf32>, vector<256x32xf32>, vector<1024x32xf32> -> vector<1024x32xf32>
    %add3A_54 = arith.addf %dot_general3A_48, %dot_general3A_53 : vector<1024x32xf32>
    %get3A_55 = arith.constant 0 : index
    %get3A_56 = arith.constant 0 : index
    %get3A_57 = vector.load %arg8[%get3A_55, %get3A_56] : memref<1x32xf32, #tpu.memory_space<vmem>>, vector<1x32xf32>
    %add3A_58 = vector.broadcast %get3A_57 : vector<1x32xf32> to vector<1024x32xf32>
    %add3A_59 = arith.addf %add3A_54, %add3A_58 : vector<1024x32xf32>
    %max3A_60 = arith.constant 0.000000e+00 : f32
    %max3A_61 = vector.broadcast %max3A_60 : f32 to vector<1024x32xf32>
    %max3A_62 = arith.maximumf %add3A_59, %max3A_61 : vector<1024x32xf32>
    %reduce_sum3A = arith.constant dense<0.000000e+00> : vector<1024xf32>
    %reduce_sum3A_63 = vector.multi_reduction <add>, %max3A_62, %reduce_sum3A [1] : vector<1024x32xf32> to vector<1024xf32>
    %div3A = arith.constant 3.200000e+01 : f32
    %div3A_64 = vector.broadcast %div3A : f32 to vector<1024xf32>
    %div3A_65 = arith.divf %reduce_sum3A_63, %div3A_64 : vector<1024xf32>
    %add3A_66 = arith.constant 1.000000e+00 : f32
    %add3A_67 = vector.broadcast %add3A_66 : f32 to vector<1024xf32>
    %add3A_68 = arith.addf %div3A_65, %add3A_67 : vector<1024xf32>
    %swap3A = arith.constant 0 : index
    %swap3A_69 = arith.constant 0 : index
    %swap3A_70 = arith.constant 0 : index
    %swap3A_71 = vector.load %arg9[%swap3A, %swap3A_69, %swap3A_70] : memref<1x1x1024xf32, #tpu.memory_space<vmem>>, vector<1x1x1024xf32>
    %swap3A_72 = vector.shape_cast %swap3A_71 : vector<1x1x1024xf32> to vector<1024xf32>
    %swap3A_73 = vector.shape_cast %add3A_68 : vector<1024xf32> to vector<1x1x1024xf32>
    tpu.vector_store %arg9[%swap3A, %swap3A_69, %swap3A_70], %swap3A_73 {strides = array<i32>} : memref<1x1x1024xf32, #tpu.memory_space<vmem>>, vector<1x1x1024xf32>,
    %eq3A = arith.constant 0 : i32
    %eq3A_74 = arith.cmpi eq, %arg0, %eq3A : i32
    %convert_element_type3A_75 = arith.extui %eq3A_74 : i1 to i32
    %cond3A = arith.constant 0 : i32
    %cond3A_76 = arith.cmpi ne, %convert_element_type3A_75, %cond3A : i32
    scf.if %cond3A_76 {
      %swap3A_94 = arith.constant 0.000000e+00 : f32
      %swap3A_95 = arith.constant 0 : index
      %swap3A_96 = arith.constant 0 : index
      %swap3A_97 = memref.load %arg10[%swap3A_95, %swap3A_96] : memref<1x1xf32, #tpu.memory_space<smem>>
      memref.store %swap3A_94, %arg10[%swap3A_95, %swap3A_96] : memref<1x1xf32, #tpu.memory_space<smem>>
    } else {
    }
    %get3A_77 = arith.constant 0 : index
    %get3A_78 = arith.constant 0 : index
    %get3A_79 = memref.load %arg10[%get3A_77, %get3A_78] : memref<1x1xf32, #tpu.memory_space<smem>>
    %get3A_80 = arith.constant 0 : index
    %get3A_81 = arith.constant 0 : index
    %get3A_82 = arith.constant 0 : index
    %get3A_83 = vector.load %arg4[%get3A_80, %get3A_81, %get3A_82] : memref<1x1x1024xf32, #tpu.memory_space<vmem>>, vector<1x1x1024xf32>
    %get3A_84 = vector.shape_cast %get3A_83 : vector<1x1x1024xf32> to vector<1024xf32>
    %mul3A_85 = arith.mulf %div3A_65, %get3A_84 : vector<1024xf32>
    %reduce_max3A = vector.shape_cast %mul3A_85 : vector<1024xf32> to vector<1x1024xf32>
    %reduce_max3A_86 = arith.constant dense<0xFF800000> : vector<1xf32>
    %reduce_max3A_87 = vector.multi_reduction <maximumf>, %reduce_max3A, %reduce_max3A_86 [1] : vector<1x1024xf32> to vector<1xf32>
    %reduce_max3A_88 = vector.shape_cast %reduce_max3A_87 : vector<1xf32> to vector<1x1xf32>
    %reduce_max3A_89 = vector.extract %reduce_max3A_88[0, 0] : f32 from vector<1x1xf32>
    %max3A_90 = arith.maximumf %get3A_79, %reduce_max3A_89 : f32
    %swap3A_91 = arith.constant 0 : index
    %swap3A_92 = arith.constant 0 : index
    %swap3A_93 = memref.load %arg10[%swap3A_91, %swap3A_92] : memref<1x1xf32, #tpu.memory_space<smem>>
    memref.store %max3A_90, %arg10[%swap3A_91, %swap3A_92] : memref<1x1xf32, #tpu.memory_space<smem>>
    return
  }
  func.func @transform_0(%arg0: i32) -> (i32, i32) {
    %c0_i32 = arith.constant 0 : i32
    %c0_i32_0 = arith.constant 0 : i32
    return %arg0, %c0_i32 : i32, i32
  }
  func.func @transform_1(%arg0: i32) -> (i32, i32) {
    %c0_i32 = arith.constant 0 : i32
    %c0_i32_0 = arith.constant 0 : i32
    return %arg0, %c0_i32 : i32, i32
  }
  func.func @transform_2(%arg0: i32) -> (i32, i32) {
    %c0_i32 = arith.constant 0 : i32
    %c0_i32_0 = arith.constant 0 : i32
    return %arg0, %c0_i32 : i32, i32
  }
  func.func @transform_3(%arg0: i32) -> (i32, i32, i32) {
    %c0_i32 = arith.constant 0 : i32
    %c0_i32_0 = arith.constant 0 : i32
    %c0_i32_1 = arith.constant 0 : i32
    return %arg0, %c0_i32, %c0_i32_0 : i32, i32, i32
  }
  func.func @transform_4(%arg0: i32) -> (i32, i32) {
    %c0_i32 = arith.constant 0 : i32
    %c0_i32_0 = arith.constant 0 : i32
    %c0_i32_1 = arith.constant 0 : i32
    return %c0_i32, %c0_i32_0 : i32, i32
  }
  func.func @transform_5(%arg0: i32) -> (i32, i32) {
    %c0_i32 = arith.constant 0 : i32
    %c0_i32_0 = arith.constant 0 : i32
    %c0_i32_1 = arith.constant 0 : i32
    return %c0_i32, %c0_i32_0 : i32, i32
  }
  func.func @transform_6(%arg0: i32) -> (i32, i32) {
    %c0_i32 = arith.constant 0 : i32
    %c0_i32_0 = arith.constant 0 : i32
    %c0_i32_1 = arith.constant 0 : i32
    return %c0_i32, %c0_i32_0 : i32, i32
  }
  func.func @transform_7(%arg0: i32) -> (i32, i32) {
    %c0_i32 = arith.constant 0 : i32
    %c0_i32_0 = arith.constant 0 : i32
    %c0_i32_1 = arith.constant 0 : i32
    return %c0_i32, %c0_i32_0 : i32, i32
  }
  func.func @transform_8(%arg0: i32) -> (i32, i32, i32) {
    %c0_i32 = arith.constant 0 : i32
    %c0_i32_0 = arith.constant 0 : i32
    %c0_i32_1 = arith.constant 0 : i32
    return %arg0, %c0_i32, %c0_i32_0 : i32, i32, i32
  }
  func.func @transform_9(%arg0: i32) -> (i32, i32) {
    %c0_i32 = arith.constant 0 : i32
    %c0_i32_0 = arith.constant 0 : i32
    %c0_i32_1 = arith.constant 0 : i32
    return %c0_i32, %c0_i32_0 : i32, i32
  }
}

module attributes {stable_mosaic.version = 14 : i64} {
  func.func @_k4_body(%arg0: i32, %arg1: memref<256x2048xf32, #tpu.memory_space<vmem>>, %arg2: memref<2048x512xf32, #tpu.memory_space<vmem>>, %arg3: memref<1x1xf32, #tpu.memory_space<smem>>, %arg4: memref<256x512xf32, #tpu.memory_space<vmem>>, %arg5: memref<2048x512xf32, #tpu.memory_space<vmem>>, %arg6: memref<256x1xf32, #tpu.memory_space<vmem>>) attributes {dimension_semantics = [#tpu.dimension_semantics<arbitrary>], iteration_bounds = array<i64: 8>, scalar_prefetch = 0 : i64, scratch_operands = 0 : i64, tpu.core_type = #tpu.core_type<tc>, window_params = [{transform_indices = @transform_0, window_bounds = array<i64: 256, 2048>}, {pipeline_mode = #tpu.pipeline_mode<synchronous>, transform_indices = @transform_1, window_bounds = array<i64: 2048, 512>}, {transform_indices = @transform_2, window_bounds = array<i64: 1, 1>}, {transform_indices = @transform_3, window_bounds = array<i64: 256, 512>}, {pipeline_mode = #tpu.pipeline_mode<synchronous>, transform_indices = @transform_4, window_bounds = array<i64: 2048, 512>}, {transform_indices = @transform_5, window_bounds = array<i64: 256, 1>}]} {
    %get3A = arith.constant 0 : index
    %get3A_0 = arith.constant 0 : index
    %get3A_1 = vector.load %arg1[%get3A, %get3A_0] : memref<256x2048xf32, #tpu.memory_space<vmem>>, vector<256x2048xf32>
    %ne3A = arith.constant 0.000000e+00 : f32
    %ne3A_2 = vector.broadcast %ne3A : f32 to vector<256x2048xf32>
    %ne3A_3 = arith.cmpf one, %get3A_1, %ne3A_2 : vector<256x2048xf32>
    %convert_element_type3A = arith.extui %ne3A_3 : vector<256x2048xi1> to vector<256x2048xi32>
    %convert_element_type3A_4 = arith.sitofp %convert_element_type3A : vector<256x2048xi32> to vector<256x2048xf32>
    %sub3A = arith.constant 1.000000e+00 : f32
    %sub3A_5 = vector.broadcast %sub3A : f32 to vector<256x2048xf32>
    %sub3A_6 = arith.subf %get3A_1, %sub3A_5 : vector<256x2048xf32>
    %get3A_7 = arith.constant 0 : index
    %get3A_8 = arith.constant 0 : index
    %get3A_9 = memref.load %arg3[%get3A_7, %get3A_8] : memref<1x1xf32, #tpu.memory_space<smem>>
    %sub3A_10 = vector.broadcast %get3A_9 : f32 to vector<256x2048xf32>
    %sub3A_11 = arith.subf %sub3A_6, %sub3A_10 : vector<256x2048xf32>
    %exp3A = math.exp %sub3A_11 : vector<256x2048xf32>
    %mul3A = arith.mulf %exp3A, %convert_element_type3A_4 : vector<256x2048xf32>
    %reduce_sum3A = arith.constant dense<0.000000e+00> : vector<256xf32>
    %reduce_sum3A_12 = vector.multi_reduction <add>, %mul3A, %reduce_sum3A [1] : vector<256x2048xf32> to vector<256xf32>
    %broadcast_in_dim3A = vector.shape_cast %reduce_sum3A_12 : vector<256xf32> to vector<256x1xf32>
    %add3A = arith.constant 9.99999997E-7 : f32
    %add3A_13 = vector.broadcast %add3A : f32 to vector<256x1xf32>
    %add3A_14 = arith.addf %broadcast_in_dim3A, %add3A_13 : vector<256x1xf32>
    %div3A = vector.broadcast %add3A_14 : vector<256x1xf32> to vector<256x2048xf32>
    %div3A_15 = arith.divf %mul3A, %div3A : vector<256x2048xf32>
    %get3A_16 = arith.constant 0 : index
    %get3A_17 = arith.constant 0 : index
    %get3A_18 = vector.load %arg2[%get3A_16, %get3A_17] : memref<2048x512xf32, #tpu.memory_space<vmem>>, vector<2048x512xf32>
    %dot_general3A = arith.constant dense<0.000000e+00> : vector<256x512xf32>
    %dot_general3A_19 = tpu.matmul %div3A_15, %get3A_18, %dot_general3A {dimension_numbers = #tpu.dot_dimension_numbers<[1], [0], [0], [1], [0, 0, 1, 1], [], []>, transpose_lhs_hint = false} : vector<256x2048xf32>, vector<2048x512xf32>, vector<256x512xf32> -> vector<256x512xf32>
    %swap3A = arith.constant 0 : index
    %swap3A_20 = arith.constant 0 : index
    %swap3A_21 = vector.load %arg4[%swap3A, %swap3A_20] : memref<256x512xf32, #tpu.memory_space<vmem>>, vector<256x512xf32>
    tpu.vector_store %arg4[%swap3A, %swap3A_20], %dot_general3A_19 {strides = array<i32>} : memref<256x512xf32, #tpu.memory_space<vmem>>, vector<256x512xf32>,
    %mul3A_22 = arith.constant 256 : i32
    %mul3A_23 = arith.muli %arg0, %mul3A_22 : i32
    %get3A_24 = arith.index_cast %mul3A_23 : i32 to index
    %get3A_25 = arith.constant 0 : index
    %get3A_26 = vector.load %arg2[%get3A_24, %get3A_25] : memref<2048x512xf32, #tpu.memory_space<vmem>>, vector<256x512xf32>
    %eq3A = arith.constant 0 : i32
    %eq3A_27 = arith.cmpi eq, %arg0, %eq3A : i32
    %convert_element_type3A_28 = arith.extui %eq3A_27 : i1 to i32
    %cond3A = arith.constant 0 : i32
    %cond3A_29 = arith.cmpi ne, %convert_element_type3A_28, %cond3A : i32
    scf.if %cond3A_29 {
      %broadcast_in_dim3A_46 = arith.constant 0.000000e+00 : f32
      %broadcast_in_dim3A_47 = vector.broadcast %broadcast_in_dim3A_46 : f32 to vector<2048x512xf32>
      %swap3A_48 = arith.constant 0 : index
      %swap3A_49 = arith.constant 0 : index
      %swap3A_50 = vector.load %arg5[%swap3A_48, %swap3A_49] : memref<2048x512xf32, #tpu.memory_space<vmem>>, vector<2048x512xf32>
      tpu.vector_store %arg5[%swap3A_48, %swap3A_49], %broadcast_in_dim3A_47 {strides = array<i32>} : memref<2048x512xf32, #tpu.memory_space<vmem>>, vector<2048x512xf32>,
    } else {
    }
    %get3A_30 = arith.constant 0 : index
    %get3A_31 = arith.constant 0 : index
    %get3A_32 = vector.load %arg5[%get3A_30, %get3A_31] : memref<2048x512xf32, #tpu.memory_space<vmem>>, vector<2048x512xf32>
    %dot_general3A_33 = arith.constant dense<0.000000e+00> : vector<2048x512xf32>
    %dot_general3A_34 = tpu.matmul %div3A_15, %get3A_26, %dot_general3A_33 {dimension_numbers = #tpu.dot_dimension_numbers<[0], [0], [1], [1], [0, 1, 1, 1], [], []>, transpose_lhs_hint = false} : vector<256x2048xf32>, vector<256x512xf32>, vector<2048x512xf32> -> vector<2048x512xf32>
    %add3A_35 = arith.addf %get3A_32, %dot_general3A_34 : vector<2048x512xf32>
    %swap3A_36 = arith.constant 0 : index
    %swap3A_37 = arith.constant 0 : index
    %swap3A_38 = vector.load %arg5[%swap3A_36, %swap3A_37] : memref<2048x512xf32, #tpu.memory_space<vmem>>, vector<2048x512xf32>
    tpu.vector_store %arg5[%swap3A_36, %swap3A_37], %add3A_35 {strides = array<i32>} : memref<2048x512xf32, #tpu.memory_space<vmem>>, vector<2048x512xf32>,
    %gt3A = arith.constant 0.000000e+00 : f32
    %gt3A_39 = vector.broadcast %gt3A : f32 to vector<256x1xf32>
    %gt3A_40 = arith.cmpf ogt, %broadcast_in_dim3A, %gt3A_39 : vector<256x1xf32>
    %convert_element_type3A_41 = arith.extui %gt3A_40 : vector<256x1xi1> to vector<256x1xi32>
    %convert_element_type3A_42 = arith.sitofp %convert_element_type3A_41 : vector<256x1xi32> to vector<256x1xf32>
    %swap3A_43 = arith.constant 0 : index
    %swap3A_44 = arith.constant 0 : index
    %swap3A_45 = vector.load %arg6[%swap3A_43, %swap3A_44] : memref<256x1xf32, #tpu.memory_space<vmem>>, vector<256x1xf32>
    tpu.vector_store %arg6[%swap3A_43, %swap3A_44], %convert_element_type3A_42 {strides = array<i32>} : memref<256x1xf32, #tpu.memory_space<vmem>>, vector<256x1xf32>,
    return
  }
  func.func @transform_0(%arg0: i32) -> (i32, i32) {
    %ge3A = arith.constant 4 : i32
    %ge3A_0 = arith.cmpi sge, %arg0, %ge3A : i32
    %add3A = arith.constant 1 : i32
    %add3A_1 = arith.addi %arg0, %add3A : i32
    %select_n3A = arith.select %ge3A_0, %add3A_1, %arg0 : i32
    %c0_i32 = arith.constant 0 : i32
    %c0_i32_2 = arith.constant 0 : i32
    return %select_n3A, %c0_i32 : i32, i32
  }
  func.func @transform_1(%arg0: i32) -> (i32, i32) {
    %c0_i32 = arith.constant 0 : i32
    %c0_i32_0 = arith.constant 0 : i32
    %c0_i32_1 = arith.constant 0 : i32
    return %c0_i32, %c0_i32_0 : i32, i32
  }
  func.func @transform_2(%arg0: i32) -> (i32, i32) {
    %c0_i32 = arith.constant 0 : i32
    %c0_i32_0 = arith.constant 0 : i32
    %c0_i32_1 = arith.constant 0 : i32
    return %c0_i32, %c0_i32_0 : i32, i32
  }
  func.func @transform_3(%arg0: i32) -> (i32, i32) {
    %c0_i32 = arith.constant 0 : i32
    %c0_i32_0 = arith.constant 0 : i32
    return %arg0, %c0_i32 : i32, i32
  }
  func.func @transform_4(%arg0: i32) -> (i32, i32) {
    %c0_i32 = arith.constant 0 : i32
    %c0_i32_0 = arith.constant 0 : i32
    %c0_i32_1 = arith.constant 0 : i32
    return %c0_i32, %c0_i32_0 : i32, i32
  }
  func.func @transform_5(%arg0: i32) -> (i32, i32) {
    %c0_i32 = arith.constant 0 : i32
    %c0_i32_0 = arith.constant 0 : i32
    return %arg0, %c0_i32 : i32, i32
  }
}

module attributes {stable_mosaic.version = 14 : i64} {
  func.func @_k5_body(%arg0: i32, %arg1: memref<256x512xf32, #tpu.memory_space<vmem>>, %arg2: memref<256x512xf32, #tpu.memory_space<vmem>>, %arg3: memref<256x1xf32, #tpu.memory_space<vmem>>, %arg4: memref<1024x256xf32, #tpu.memory_space<vmem>>, %arg5: memref<1x256xf32, #tpu.memory_space<vmem>>, %arg6: memref<1x256xf32, #tpu.memory_space<vmem>>, %arg7: memref<1x256xf32, #tpu.memory_space<vmem>>, %arg8: memref<256x512xf32, #tpu.memory_space<vmem>>, %arg9: memref<1x512xf32, #tpu.memory_space<vmem>>, %arg10: memref<256x512xf32, #tpu.memory_space<vmem>>) attributes {dimension_semantics = [#tpu.dimension_semantics<arbitrary>], iteration_bounds = array<i64: 8>, scalar_prefetch = 0 : i64, scratch_operands = 0 : i64, tpu.core_type = #tpu.core_type<tc>, window_params = [{transform_indices = @transform_0, window_bounds = array<i64: 256, 512>}, {transform_indices = @transform_1, window_bounds = array<i64: 256, 512>}, {transform_indices = @transform_2, window_bounds = array<i64: 256, 1>}, {pipeline_mode = #tpu.pipeline_mode<synchronous>, transform_indices = @transform_3, window_bounds = array<i64: 1024, 256>}, {pipeline_mode = #tpu.pipeline_mode<synchronous>, transform_indices = @transform_4, window_bounds = array<i64: 1, 256>}, {pipeline_mode = #tpu.pipeline_mode<synchronous>, transform_indices = @transform_5, window_bounds = array<i64: 1, 256>}, {pipeline_mode = #tpu.pipeline_mode<synchronous>, transform_indices = @transform_6, window_bounds = array<i64: 1, 256>}, {pipeline_mode = #tpu.pipeline_mode<synchronous>, transform_indices = @transform_7, window_bounds = array<i64: 256, 512>}, {pipeline_mode = #tpu.pipeline_mode<synchronous>, transform_indices = @transform_8, window_bounds = array<i64: 1, 512>}, {transform_indices = @transform_9, window_bounds = array<i64: 256, 512>}]} {
    %get3A = arith.constant 0 : index
    %get3A_0 = arith.constant 0 : index
    %get3A_1 = vector.load %arg1[%get3A, %get3A_0] : memref<256x512xf32, #tpu.memory_space<vmem>>, vector<256x512xf32>
    %get3A_2 = arith.constant 0 : index
    %get3A_3 = arith.constant 0 : index
    %get3A_4 = vector.load %arg2[%get3A_2, %get3A_3] : memref<256x512xf32, #tpu.memory_space<vmem>>, vector<256x512xf32>
    %concatenate3A = tpu.concatenate %get3A_1, %get3A_4 in 1 : vector<256x512xf32>, vector<256x512xf32> -> vector<256x1024xf32>
    %get3A_5 = arith.constant 0 : index
    %get3A_6 = arith.constant 0 : index
    %get3A_7 = vector.load %arg4[%get3A_5, %get3A_6] : memref<1024x256xf32, #tpu.memory_space<vmem>>, vector<1024x256xf32>
    %dot_general3A = arith.constant dense<0.000000e+00> : vector<256x256xf32>
    %dot_general3A_8 = tpu.matmul %concatenate3A, %get3A_7, %dot_general3A {dimension_numbers = #tpu.dot_dimension_numbers<[1], [0], [0], [1], [0, 0, 1, 1], [], []>, transpose_lhs_hint = false} : vector<256x1024xf32>, vector<1024x256xf32>, vector<256x256xf32> -> vector<256x256xf32>
    %get3A_9 = arith.constant 0 : index
    %get3A_10 = arith.constant 0 : index
    %get3A_11 = vector.load %arg5[%get3A_9, %get3A_10] : memref<1x256xf32, #tpu.memory_space<vmem>>, vector<1x256xf32>
    %add3A = vector.broadcast %get3A_11 : vector<1x256xf32> to vector<256x256xf32>
    %add3A_12 = arith.addf %dot_general3A_8, %add3A : vector<256x256xf32>
    %reduce_sum3A = arith.constant dense<0.000000e+00> : vector<256xf32>
    %reduce_sum3A_13 = vector.multi_reduction <add>, %add3A_12, %reduce_sum3A [1] : vector<256x256xf32> to vector<256xf32>
    %broadcast_in_dim3A = vector.shape_cast %reduce_sum3A_13 : vector<256xf32> to vector<256x1xf32>
    %div3A = arith.constant 2.560000e+02 : f32
    %div3A_14 = vector.broadcast %div3A : f32 to vector<256x1xf32>
    %div3A_15 = arith.divf %broadcast_in_dim3A, %div3A_14 : vector<256x1xf32>
    %sub3A = vector.broadcast %div3A_15 : vector<256x1xf32> to vector<256x256xf32>
    %sub3A_16 = arith.subf %add3A_12, %sub3A : vector<256x256xf32>
    %integer_pow3A = arith.mulf %sub3A_16, %sub3A_16 : vector<256x256xf32>
    %reduce_sum3A_17 = arith.constant dense<0.000000e+00> : vector<256xf32>
    %reduce_sum3A_18 = vector.multi_reduction <add>, %integer_pow3A, %reduce_sum3A_17 [1] : vector<256x256xf32> to vector<256xf32>
    %broadcast_in_dim3A_19 = vector.shape_cast %reduce_sum3A_18 : vector<256xf32> to vector<256x1xf32>
    %div3A_20 = arith.constant 2.560000e+02 : f32
    %div3A_21 = vector.broadcast %div3A_20 : f32 to vector<256x1xf32>
    %div3A_22 = arith.divf %broadcast_in_dim3A_19, %div3A_21 : vector<256x1xf32>
    %sub3A_23 = vector.broadcast %div3A_15 : vector<256x1xf32> to vector<256x256xf32>
    %sub3A_24 = arith.subf %add3A_12, %sub3A_23 : vector<256x256xf32>
    %add3A_25 = arith.constant 9.99999974E-6 : f32
    %add3A_26 = vector.broadcast %add3A_25 : f32 to vector<256x1xf32>
    %add3A_27 = arith.addf %div3A_22, %add3A_26 : vector<256x1xf32>
    %sqrt3A = math.sqrt %add3A_27 : vector<256x1xf32>
    %div3A_28 = vector.broadcast %sqrt3A : vector<256x1xf32> to vector<256x256xf32>
    %div3A_29 = arith.divf %sub3A_24, %div3A_28 : vector<256x256xf32>
    %get3A_30 = arith.constant 0 : index
    %get3A_31 = arith.constant 0 : index
    %get3A_32 = vector.load %arg6[%get3A_30, %get3A_31] : memref<1x256xf32, #tpu.memory_space<vmem>>, vector<1x256xf32>
    %mul3A = vector.broadcast %get3A_32 : vector<1x256xf32> to vector<256x256xf32>
    %mul3A_33 = arith.mulf %div3A_29, %mul3A : vector<256x256xf32>
    %get3A_34 = arith.constant 0 : index
    %get3A_35 = arith.constant 0 : index
    %get3A_36 = vector.load %arg7[%get3A_34, %get3A_35] : memref<1x256xf32, #tpu.memory_space<vmem>>, vector<1x256xf32>
    %add3A_37 = vector.broadcast %get3A_36 : vector<1x256xf32> to vector<256x256xf32>
    %add3A_38 = arith.addf %mul3A_33, %add3A_37 : vector<256x256xf32>
    %max3A = arith.constant 0.000000e+00 : f32
    %max3A_39 = vector.broadcast %max3A : f32 to vector<256x256xf32>
    %max3A_40 = arith.maximumf %add3A_38, %max3A_39 : vector<256x256xf32>
    %get3A_41 = arith.constant 0 : index
    %get3A_42 = arith.constant 0 : index
    %get3A_43 = vector.load %arg8[%get3A_41, %get3A_42] : memref<256x512xf32, #tpu.memory_space<vmem>>, vector<256x512xf32>
    %dot_general3A_44 = arith.constant dense<0.000000e+00> : vector<256x512xf32>
    %dot_general3A_45 = tpu.matmul %max3A_40, %get3A_43, %dot_general3A_44 {dimension_numbers = #tpu.dot_dimension_numbers<[1], [0], [0], [1], [0, 0, 1, 1], [], []>, transpose_lhs_hint = false} : vector<256x256xf32>, vector<256x512xf32>, vector<256x512xf32> -> vector<256x512xf32>
    %get3A_46 = arith.constant 0 : index
    %get3A_47 = arith.constant 0 : index
    %get3A_48 = vector.load %arg9[%get3A_46, %get3A_47] : memref<1x512xf32, #tpu.memory_space<vmem>>, vector<1x512xf32>
    %add3A_49 = vector.broadcast %get3A_48 : vector<1x512xf32> to vector<256x512xf32>
    %add3A_50 = arith.addf %dot_general3A_45, %add3A_49 : vector<256x512xf32>
    %max3A_51 = arith.constant 0.000000e+00 : f32
    %max3A_52 = vector.broadcast %max3A_51 : f32 to vector<256x512xf32>
    %max3A_53 = arith.maximumf %add3A_50, %max3A_52 : vector<256x512xf32>
    %get3A_54 = arith.constant 0 : index
    %get3A_55 = arith.constant 0 : index
    %get3A_56 = vector.load %arg3[%get3A_54, %get3A_55] : memref<256x1xf32, #tpu.memory_space<vmem>>, vector<256x1xf32>
    %mul3A_57 = vector.broadcast %get3A_56 : vector<256x1xf32> to vector<256x512xf32>
    %mul3A_58 = arith.mulf %max3A_53, %mul3A_57 : vector<256x512xf32>
    %swap3A = arith.constant 0 : index
    %swap3A_59 = arith.constant 0 : index
    %swap3A_60 = vector.load %arg10[%swap3A, %swap3A_59] : memref<256x512xf32, #tpu.memory_space<vmem>>, vector<256x512xf32>
    tpu.vector_store %arg10[%swap3A, %swap3A_59], %mul3A_58 {strides = array<i32>} : memref<256x512xf32, #tpu.memory_space<vmem>>, vector<256x512xf32>,
    return
  }
  func.func @transform_0(%arg0: i32) -> (i32, i32) {
    %c0_i32 = arith.constant 0 : i32
    %c0_i32_0 = arith.constant 0 : i32
    return %arg0, %c0_i32 : i32, i32
  }
  func.func @transform_1(%arg0: i32) -> (i32, i32) {
    %c0_i32 = arith.constant 0 : i32
    %c0_i32_0 = arith.constant 0 : i32
    return %arg0, %c0_i32 : i32, i32
  }
  func.func @transform_2(%arg0: i32) -> (i32, i32) {
    %c0_i32 = arith.constant 0 : i32
    %c0_i32_0 = arith.constant 0 : i32
    return %arg0, %c0_i32 : i32, i32
  }
  func.func @transform_3(%arg0: i32) -> (i32, i32) {
    %c0_i32 = arith.constant 0 : i32
    %c0_i32_0 = arith.constant 0 : i32
    %c0_i32_1 = arith.constant 0 : i32
    return %c0_i32, %c0_i32_0 : i32, i32
  }
  func.func @transform_4(%arg0: i32) -> (i32, i32) {
    %c0_i32 = arith.constant 0 : i32
    %c0_i32_0 = arith.constant 0 : i32
    %c0_i32_1 = arith.constant 0 : i32
    return %c0_i32, %c0_i32_0 : i32, i32
  }
  func.func @transform_5(%arg0: i32) -> (i32, i32) {
    %c0_i32 = arith.constant 0 : i32
    %c0_i32_0 = arith.constant 0 : i32
    %c0_i32_1 = arith.constant 0 : i32
    return %c0_i32, %c0_i32_0 : i32, i32
  }
  func.func @transform_6(%arg0: i32) -> (i32, i32) {
    %c0_i32 = arith.constant 0 : i32
    %c0_i32_0 = arith.constant 0 : i32
    %c0_i32_1 = arith.constant 0 : i32
    return %c0_i32, %c0_i32_0 : i32, i32
  }
  func.func @transform_7(%arg0: i32) -> (i32, i32) {
    %c0_i32 = arith.constant 0 : i32
    %c0_i32_0 = arith.constant 0 : i32
    %c0_i32_1 = arith.constant 0 : i32
    return %c0_i32, %c0_i32_0 : i32, i32
  }
  func.func @transform_8(%arg0: i32) -> (i32, i32) {
    %c0_i32 = arith.constant 0 : i32
    %c0_i32_0 = arith.constant 0 : i32
    %c0_i32_1 = arith.constant 0 : i32
    return %c0_i32, %c0_i32_0 : i32, i32
  }
  func.func @transform_9(%arg0: i32) -> (i32, i32) {
    %c0_i32 = arith.constant 0 : i32
    %c0_i32_0 = arith.constant 0 : i32
    return %arg0, %c0_i32 : i32, i32
  }
}

</mosaic_0001>

<sc_bundles>
// kernel: gather_offload_async_start
scs
__scs_entry_jumppad:
0x0: {  	(pc) =	sbr.rel $0x88, $3  }
0x1: {  	(tag) =	ssettag $0x0;
	lr =	simm.s32 $0x1  }
0x2: {  	[smem:$0x3F8E] =	sst lr;
	_ =	strace $0xD0000000  }
0x3: {  	_ = 	snop  }
0x4: {  	_ = 	snop  }
0x5: {  	_ = 	snop  }
0x6: {  	_ = 	snop  }
0x7: {  	_ = 	snop  }
__scs_overlays_trampoline_lowered:
0x8: {  	[smem:$0x3F9D] =	sst s0  }
0x9: {  	[smem:$0x3F9E] =	sst s1  }
0xa: {  	[smem:$0x3F9F] =	sst s2  }
0xb: {  	[smem:$0x3FA0] =	sst s3  }
0xc: {  	[smem:$0x3FA1] =	sst s4  }
0xd: {  	[smem:$0x3FA2] =	sst s5  }
0xe: {  	[smem:$0x3FA3] =	sst s6  }
0xf: {  	[smem:$0x3FA4] =	sst s7  }
0x10: {  	[smem:$0x3FA5] =	sst s8  }
0x11: {  	[smem:$0x3FA6] =	sst s9;
	s0 =	simm.s32 @!p0 $0x0  }
0x12: {  	s1 =	sld [smem:$0x3F8C];
	s0 =	simm.s32 @p0 $0x1  }
0x13: {  	[smem:$0x3FA7] =	sst s0;
	s0 =	simm.s32 @!p1 $0x0  }
0x14: {  	s2 =	sld [smem:$0x3F8B];
	s0 =	simm.s32 @p1 $0x1  }
0x15: {  	[smem:$0x3FA8] =	sst s0;
	s0 =	simm.s32 @!p2 $0x0  }
0x16: {  	s3 =	sld [smem:$0x3FDB];
	s0 =	simm.s32 @p2 $0x1  }
0x17: {  	s4 =	simm.s32 $0x1BF5;
	[smem:$0x3FAA] =	sst s0  }
0x18: {  	s0 =	sld [smem:$0x3F8D];
	_ =	swait.ge [sflag:s4], $0x0  }
0x19: {  	s7 =	sld [smem:$0x3F8E]  }
0x1a: {  	s8 =	sadd.s32 $0xFFFFE003, lr  }
0x1b: {  	s9 =	sadd.s32 $0xFFFFFEF7, lr;
	s5 =	simm.s32 $0xFFFFFFFF;
	p2 =	slt.u32 s8, $0xFFFFF086  }
0x1c: {  	p1 =	slt.u32 s9, $0xF7A;
	s5 =	simm.s32 @!p2 $0x0  }
0x1d: {  	s5 =	simm.s32 @p1 $0x1;
	p0 =	seq.s32 s7, s2  }
0x1e: {  	s7 =	smul.u32 @!p0 $0xF7A, s2;
	p2 =	seq.s32 @!p0 s5, $0x0  }
0x1f: {  	s9 =	smul.u32 $0xF7A, s1;
	s8 =	simm.s32 @!p0 $0x1BF5;
	p2 =	por !p2, p0  }
0x20: {  	[sflag:s8] =	ssyncset.s32 @!p0 $0xFFFFF086;
	s6 =	sadd.s32 @!p0 s3, s7;
	s7 =	simm.s32 @!p0 $0x108  }
0x21: {  	s3 =	sadd.s32 s3, s9;
	s6 =	sadd.s32 @!p0 $0x88, s6;
	s7 =	simm.s32 @p2 $0x1082  }
0x22: {  	[simem:s7], [sflag:s8] =	dma.local @!p0 [hbm:s6], $0xF7A  }
0x23: {  	s9 =	sor.u32 $0xD0000000, s2;
	s6 =	simm.s32 $0x108;
	_ =	swait.ge @!p0 [sflag:s8], $0x0  }
0x24: {  	s3 =	sadd.s32 $0x88, s3;
	s6 =	simm.s32 @!p1 $0x1082;
	[sflag:s4] =	ssyncset.s32 $0xFFFFF086  }
0x25: {  	[simem:s6], [sflag:s4] =	dma.local [hbm:s3], $0xF7A  }
0x26: {  	[smem:$0x3F8E] =	sst s1;
	(tag) =	ssettag s2;
	_ =	strace s9  }
0x27: {  	s1 =	sld [smem:$0x3F9E]  }
0x28: {  	s2 =	sld [smem:$0x3F9F]  }
0x29: {  	s4 =	sld [smem:$0x3FA1]  }
0x2a: {  	p0 =	seq.s32 s5, $0x0;
	s5 =	sld [smem:$0x3FA2]  }
0x2b: {  	s6 =	sld [smem:$0x3FA3]  }
0x2c: {  	s7 =	sld [smem:$0x3FA4]  }
0x2d: {  	s3 =	simm.s32 $0x108;
	s8 =	sld [smem:$0x3FA5]  }
0x2e: {  	s3 =	simm.s32 @!p0 $0x1082;
	s9 =	sld [smem:$0x3FA6]  }
0x2f: {  	lr =	sadd.s32 s0, s3;
	s0 =	sld [smem:$0x3F9D]  }
0x30: {  	s3 =	sld [smem:$0x3FA0]  }
0x31: {  	[smem:$0x3FA9] =	sst s10  }
0x32: {  	s10 =	sld [smem:$0x3FA7];
	_ =	sdelay $0x3  }
0x33: {  	p0 =	seq.s32 s10, $0x1;
	s10 =	sld [smem:$0x3FA9];
	_ =	sdelay $0x3  }
0x34: {  	[smem:$0x3FA9] =	sst s10  }
0x35: {  	s10 =	sld [smem:$0x3FA8];
	_ =	sdelay $0x3  }
0x36: {  	p1 =	seq.s32 s10, $0x1;
	s10 =	sld [smem:$0x3FA9];
	_ =	sdelay $0x3  }
0x37: {  	[smem:$0x3FA9] =	sst s10  }
0x38: {  	s10 =	sld [smem:$0x3FAA]  }
0x39: {  	_ = 	snop;
	(pc) =	sbr.ind lr, $3  }
0x3a: {  	_ = 	snop  }
0x3b: {  	_ = 	snop  }
0x3c: {  	p2 =	seq.s32 s10, $0x1;
	s10 =	sld [smem:$0x3FA9]  }
0x3d: {  	_ =	shalt  }
0x3e: {  	_ =	shalt  }
0x3f: {  	_ =	shalt  }
0x40: {  	_ =	shalt  }
0x41: {  	_ =	shalt  }
0x42: {  	_ =	shalt  }
0x43: {  	_ =	shalt  }
0x44: {  	_ =	shalt  }
0x45: {  	_ =	shalt  }
0x46: {  	_ =	shalt  }
0x47: {  	_ =	shalt  }
0x48: {  	_ =	shalt  }
0x49: {  	_ =	shalt  }
0x4a: {  	_ =	shalt  }
0x4b: {  	_ =	shalt  }
0x4c: {  	_ =	shalt  }
0x4d: {  	_ =	shalt  }
0x4e: {  	_ =	shalt  }
0x4f: {  	_ =	shalt  }
0x50: {  	_ =	shalt  }
0x51: {  	_ =	shalt  }
0x52: {  	_ =	shalt  }
0x53: {  	_ =	shalt  }
0x54: {  	_ =	shalt  }
0x55: {  	_ =	shalt  }
0x56: {  	_ =	shalt  }
0x57: {  	_ =	shalt  }
0x58: {  	_ =	shalt  }
0x59: {  	_ =	shalt  }
0x5a: {  	_ =	shalt  }
0x5b: {  	_ =	shalt  }
0x5c: {  	_ =	shalt  }
0x5d: {  	_ =	shalt  }
0x5e: {  	_ =	shalt  }
0x5f: {  	_ =	shalt  }
0x60: {  	_ =	shalt  }
0x61: {  	_ =	shalt  }
0x62: {  	_ =	shalt  }
0x63: {  	_ =	shalt  }
0x64: {  	_ =	shalt  }
0x65: {  	_ =	shalt  }
0x66: {  	_ =	shalt  }
0x67: {  	_ =	shalt  }
0x68: {  	_ =	shalt  }
0x69: {  	_ =	shalt  }
0x6a: {  	_ =	shalt  }
0x6b: {  	_ =	shalt  }
0x6c: {  	_ =	shalt  }
0x6d: {  	_ =	shalt  }
0x6e: {  	_ =	shalt  }
0x6f: {  	_ =	shalt  }
0x70: {  	_ =	shalt  }
0x71: {  	_ =	shalt  }
0x72: {  	_ =	shalt  }
0x73: {  	_ =	shalt  }
0x74: {  	_ =	shalt  }
0x75: {  	_ =	shalt  }
0x76: {  	_ =	shalt  }
0x77: {  	_ =	shalt  }
0x78: {  	_ =	shalt  }
0x79: {  	_ =	shalt  }
0x7a: {  	_ =	shalt  }
0x7b: {  	_ =	shalt  }
0x7c: {  	_ =	shalt  }
0x7d: {  	_ =	shalt  }
0x7e: {  	_ =	shalt  }
0x7f: {  	_ =	shalt  }
0x80: {  	_ =	shalt  }
0x81: {  	_ =	shalt  }
0x82: {  	_ =	shalt  }
0x83: {  	_ =	shalt  }
0x84: {  	_ =	shalt  }
0x85: {  	_ =	shalt  }
0x86: {  	_ =	shalt  }
0x87: {  	_ =	shalt  }
.Lfunc_end0:
.L_simem_size_0:
called_computation.1_lowered:
.L_overlay_start_0:
0x88: {  	s2 =	sld [smem:$0x3FD9]  }
0x89: {  	s3 =	sld [smem:$0x3FFE];
	_ =	sdelay $0x1  }
0x8a: {  	s1 =	srdreg.scid  }
0x8b: {  	s0 =	sand.u32 $0x1, s1  }
0x8c: {  	s16 =	sshll.u32 s0, $0xA;
	s2 =	sadd.s32 s3, s2  }
0x8d: {  	s2 =	sadd.s32 s2, s16  }
0x8e: {  	[smem:$0x3FB5] =	sst s2  }
0x8f: {  	_ = 	snop  }
0x90: {  	(tm) =	ssettm $0x1  }
0x91: {  	s17 =	sld [smem:$0x3FFB];
	_ =	sdelay $0x3  }
0x92: {  	_ =	strace s17  }
0x93: {  	s2 =	sld [smem:$0x3FFC];
	_ =	sdelay $0x3  }
0x94: {  	_ =	strace s2  }
0x95: {  	s2 =	sld [smem:$0x3FFD];
	_ =	sdelay $0x3  }
0x96: {  	_ =	strace s2  }
0x97: {  	_ =	strace $0x8FFFFFFF  }
0x98: {  	s18 =	sld [smem:$0x3FDB];
	_ =	sdelay $0x1  }
0x99: {  	s19 =	simm.s32 $_scs_section_size  }
0x9a: {  	s4 =	simm.s32 $_size__tile_overlayer_lowered;
	s5 =	simm.s32 $_tile_overlayer_lowered  }
0x9b: {  	s22 =	simm.s32 $0x1BFF;
	s21 =	sshll.u32 s5, $0x1;
	s2 =	sadd.s32 s19, s18  }
0x9c: {  	s6 =	simm.s32 $0x0;
	s20 =	sshll.u32 s4, $0x1;
	s4 =	sadd.s32 s21, s2  }
0x9d: {  	[timem:s6], [sflag:s22] =	dma.local [hbm:s4], s20  }
0x9e: {  	_ =	swait.ge [sflag:s22], s20  }
0x9f: {  	s3 =	ssub.s32 $0x0, s20;
	[sflag:s22] =	ssyncset.done $0x0  }
0xa0: {  	[sflag:s22] =	ssyncadd.s32 s3;
	_ =	sdelay $0x1  }
0xa1: {  	s23 =	simm.s32 $0x1B8B  }
0xa2: {  	_ =	swait.ge [sflag:s23], $0x1  }
0xa3: {  	[sflag:s23] =	ssyncset.done $0x0  }
0xa4: {  	s25 =	simm.s32 $0x1B8E;
	s24 =	sld [smem:$0x3FFE];
	[sflag:s23] =	ssyncadd.s32 $0xFFFFFFFF  }
0xa5: {  	s26 =	simm.s32 $execute0_lowered;
	[smem:$0x3FD2] =	sst s25  }
0xa6: {  	s4 =	sshll.u32 s26, $0x1;
	_ =	strace $0x80000049;
	[dreg:$0x1] =	wrdreg $0xFFFFFFFF  }
0xa7: {  	s28 =	simm.s32 $_size_execute0_lowered;
	s2 =	sadd.s32 s2, s4;
	[dreg:$0x0] =	wrdreg $0x0  }
0xa8: {  	s4 =	sshll.u32 s28, $0x1;
	[dreg:$0x2] =	wrdreg s2  }
0xa9: {  	[dreg:$0x3] =	wrdreg s4  }
0xaa: {  	[dreg:$0x4] =	wrdreg $0xC0  }
0xab: {  	_ =	task [dreg:s6], $0x5FFFF  }
0xac: {  	[dreg:$0x1] =	wrdreg $0xFFFFFFFF  }
0xad: {  	[dreg:$0x0] =	wrdreg $0x60  }
0xae: {  	[dreg:$0x2] =	wrdreg s24  }
0xaf: {  	[dreg:$0x3] =	wrdreg $0x9  }
0xb0: {  	_ =	task.clear_ibuf [dreg:s6], $0x4FFFF;
	_ =	strace $0x90000049  }
0xb1: {  	s29 =	simm.s32 $0x9;
	_ =	strace $0x8000004B  }
0xb2: {  	_ =	swait.ge [sflag:s29], $0x1  }
0xb3: {  	[sflag:s29] =	ssyncadd.s32 $0xFFFFFFFF  }
0xb4: {  	_ =	strace $0x9000004B  }
0xb5: {  	_ =	sfence  }
0xb6: {  	s30 =	sld [smem:$0x0];
	_ =	sdelay $0x2  }
0xb7: {  	s31 =	sshll.u32 s1, $0xD;
	s1 =	sshrl.u32 s1, $0x2  }
0xb8: {  	s3 =	sand.u32 $0x4000, s31;
	s1 =	sadd.s32 s1, s30  }
0xb9: {  	s0 =	sor.u32 s3, s0;
	s1 =	sshll.u32 s1, $0x11  }
0xba: {  	s0 =	sor.u32 s1, s0  }
0xbb: {  	s0 =	sadd.s32 $0x8F2B, s0  }
0xbc: {  	[sflag:s0] =	ssyncadd.remote.s32 $0x1  }
0xbd: {  	_ =	sfence.sel $0xFFFF  }
0xbe: {  	[dreg:$0x0] =	wrdreg $0xFFFFFFFF;
	(pc) =	sbr.abs _section_cstart, $3  }
0xbf: {  	[dreg:$0x1] =	wrdreg $0xFFFFFFFF  }
0xc0: {  	_ =	task.clear_ibuf [dreg:s6], $0x2FFFF;
	_ =	strace $0x9FFFFFFF  }
0xc1: {  	(tm) =	ssettm $0x7FFFFFFF  }
tec
execute0_lowered:
.L_overlay_start_1:
0x0: {  	(tag) =	ssettag $0x1  }
0x1: {  	s0 =	srdreg.scid;
	s5 =	rddreg [dreg:$0x0]  }
0x2: {  	s1 =	stileid.u32;
	s6 =	simm.s32 $0x1;
	s9 =	simm.s32 $0x1  }
0x3: {  	s10 =	simm.s32 $0x3;
	s13 =	simm.s32 $0x0;
	s2 =	sshll.u32 s0, $0x9  }
0x4: {  	s12 =	simm.s32 $0x0;
	s3 =	sshll.u32 s1, $0xA;
	s2 =	sand.u32 $0x200, s2  }
0x5: {  	s0 =	rddreg [dreg:$0x1];
	_ =	strace $0x8000004A;
	s2 =	sor.u32 s3, s2  }
0x6: {  	s4 =	sadd.s32 $0x6C00, s5;
	[sflag:s6] =	ssyncpa.u1 $0x0;
	s8 =	ssub.s32 $0x8000, s2  }
.Ltmp0:
0x7: {  	s3 =	sadd.s32 $0x9C00, s5;
	s7 =	sand.u32 $0x3E00, s8;
	(pc) =	sbr.rel .LBB2_1-.Ltmp0, $4  }
0x8: {  	s5 =	sadd.s32 $0x7C00, s5;
	s11 =	smov.u32 s2;
	p0 =	sne.s32 s7, $0x0  }
0x9: {  	s8 =	sshrl.u32 s8, $0xE;
	s7 =	simm.s32 $0x2;
	s9 =	simm.s32 @!p0 $0x0  }
0xa: {  	[sflag:s7] =	ssyncpa.u1 $0x0;
	p0 =	por $0x0, $0x0;
	s8 =	sadd.s32 s9, s8  }
0xb: {  	vm0 =	vmmov $0xffff;
	[sflag:s10] =	ssyncpa.u1 $0x0;
	s10 =	simm.s32 $0x0;
	s9 =	sadd.s32 $0x1, s8  }
.LBB2_4:
0xc: {  	v2 =	vnsel vm1, $0x0, v2  }
0xd: {  	vm1 =	vgt.s32 v0, $0x0;
	v2 =	vmin.u32 v2, $0x3FFFFF  }
0xe: {  	v0 =	vnsel vm1, $0x0, v0  }
0xf: {  	v0 =	vmin.u32 v0, $0x3FFFFF  }
0x10: {  	[tilespmem:s15], [sflag:$0x1] =	stream.indirect_vreg.gather [hbm4b:s3+s10], $0x1, v1, vm0, $0x4038;
	[tilespmem:$0x800] =	vst v63  }
0x11: {  	(ifvalue) =	ssetifvalue $0x7FFFFFFF  }
0x12: {  	[tilespmem:s16], [sflag:$0x1] =	stream.indirect_vreg.gather [hbm4b:s3+s10], $0x1, v2, vm0, $0x4038;
	[tilespmem:$0x800] =	vst v63  }
0x13: {  	s29 =	sadd.s32 $0x10, s16;
	(ifvalue) =	ssetifvalue $0x7FFFFFFF  }
0x14: {  	[tilespmem:s29], [sflag:$0x1] =	stream.indirect_vreg.gather [hbm4b:s3+s10], $0x1, v0, vm0, $0x4038;
	[tilespmem:$0x800] =	vst v63  }
0x15: {  	_ =	swait.ge [sflag:s6], $0x200  }
0x16: {  	s30 =	sshrl.u32 s13, $0x3;
	[sflag:s6] =	ssyncset.done $0x0  }
0x17: {  	s31 =	sand.u32 $0x7, s13;
	s15 =	sadd.s32 s5, s30;
	[sflag:s6] =	ssyncadd.s32 $0xFFFFFE00  }
0x18: {  	[hbm4b:s15+s31] =	stream.linear.scatter [tilespmem:s14], [sflag:$0x3], $0x200, $0x38;
	[tilespmem:$0x800] =	vst v63  }
.LBB2_5:
0x19: {  	s15 =	sadd.s32 $0x4000, s11  }
0x1a: {  	p2 =	sgt.s32 s15, $0x7FFF  }
0x1b: {  	s15 =	smov.u32 @p2 s2;
	p2 =	sne.s32 s12, s9  }
.Ltmp1:
0x1c: {  	p1 =	slt.u32 s12, $0x2;
	(pc) =	sbr.rel @!p2 .LBB2_6-.Ltmp1, $4  }
0x1d: {  	s14 =	simm.s32 @!p1 $0x3  }
0x1e: {  	s16 =	sadd.s32 $0x1, s12;
	_ =	swait.ge @!p1 [sflag:s14], $0x200  }
0x1f: {  	s13 =	smov.u32 s11;
	p0 =	por !p0, !p0;
	[sflag:s14] =	ssyncset.done @!p1 $0x0  }
0x20: {  	s12 =	smov.u32 s16;
	s11 =	smov.u32 s15;
	[sflag:s14] =	ssyncadd.s32 @!p1 $0xFFFFFE00  }
.LBB2_1:
0x21: {  	p1 =	sge.u32 s12, s8  }
0x22: {  	s14 =	sxor.u32 @!p1 $0xFFFFFFFF, s12  }
0x23: {  	s31 =	sadd.s32 $0xFFFFFFFF, s12;
	s15 =	sshrl.u32 @!p1 s11, $0x3;
	s14 =	sshll.u32 @!p1 s14, $0x9  }
0x24: {  	s16 =	sand.u32 @!p1 $0x7, s11;
	s15 =	sadd.s32 @!p1 s4, s15;
	s14 =	sand.u32 @!p1 $0x200, s14  }
0x25: {  	[tilespmem:s14], [sflag:$0x2] =	stream.linear.gather @!p1 [hbm4b:s15+s16], $0x200, $0x38;
	[tilespmem:$0x800] =	vst v63  }
0x26: {  	p1 =	sge.u32 s31, s8  }
.Ltmp2:
0x27: {  	_ = 	snop;
	(pc) =	sbr.rel @p1 .LBB2_5-.Ltmp2, $1  }
0x28: {  	_ =	sdelay $0x3  }
0x29: {  	s14 =	simm.s32 $0x1  }
0x2a: {  	_ =	swait.ge [sflag:s7], $0x200;
	s14 =	simm.s32 @!p0 $0x0  }
0x2b: {  	[sflag:s7] =	ssyncset.done $0x0;
	s14 =	sshll.u32 s14, $0x9  }
0x2c: {  	[sflag:s7] =	ssyncadd.s32 $0xFFFFFE00;
	(ifvalue) =	ssetifvalue $0x7FFFFFFF;
	v0 =	vld.msk [tilespmem:s14+$0x0 ss:$0x1], $0xffff;
	_ =	sdelay $0x4  }
0x2d: {  	s15 =	sadd.s32 $0x10, s14;
	vm1 =	vgt.s32 v0, $0x0  }
0x2e: {  	v2 =	vld.msk [tilespmem:s15+$0x0 ss:$0x1], $0xffff;
	v1 =	vnsel vm1, $0x0, v0  }
0x2f: {  	v1 =	vmin.u32 v1, $0x3FFFFF;
	_ =	sdelay $0x1  }
0x30: {  	s16 =	sshll.u32 s12, $0x9;
	s18 =	simm.s32 $0x20  }
0x31: {  	s16 =	sand.u32 $0x200, s16;
	s17 =	sadd.s32 $0x10, s15;
	s15 =	sor.u32 $0x400, s14  }
0x32: {  	s14 =	sor.u32 $0x400, s16;
	s16 =	sadd.s32 $0x10, s15;
	v0 =	vld.msk [tilespmem:s17+$0x0 ss:$0x1], $0xffff;
	vm1 =	vgt.s32 v2, $0x0;
	(ifvalue) =	ssetifvalue $0x7FFFFFFF  }
.LBB2_3:
0x33: {  	[tilespmem:s15], [sflag:$0x1] =	stream.indirect_vreg.gather [hbm4b:s3+s10], $0x1, v1, vm0, $0x4038;
	[tilespmem:$0x800] =	vst v63  }
0x34: {  	s18 =	sadd.s32 $0x10, s18  }
0x35: {  	v2 =	vnsel vm1, $0x0, v2;
	p1 =	slt.u32 s18, $0x1F0  }
.Ltmp3:
0x36: {  	s15 =	smov.u32 s16;
	v1 =	vmin.u32 v2, $0x3FFFFF;
	(pc) =	sbr.rel @p1 .LBB2_3-.Ltmp3, $3  }
0x37: {  	_ =	sdelay $0x1  }
0x38: {  	s17 =	sadd.s32 $0x10, s17  }
0x39: {  	vm1 =	vgt.s32 v0, $0x0;
	s16 =	sadd.s32 $0x10, s16;
	v2 =	vmov v0;
	(ifvalue) =	ssetifvalue $0x7FFFFFFF;
	v0 =	vld.msk [tilespmem:s17+$0x0 ss:$0x1], $0xffff  }
.Ltmp4:
0x3a: {  	_ = 	snop;
	(pc) =	sbr.rel .LBB2_4-.Ltmp4, $1  }
0x3b: {  	_ =	sdelay $0x3  }
.LBB2_6:
0x3c: {  	_ =	sfence.sel $0x180000  }
0x3d: {  	s2 =	simm.s32 $0x2;
	[bflag:$0x0] =	sbarrier.arrive $0xFFFF  }
0x3e: {  	s30 =	simm.s32 $0x3;
	[sflag:s2] =	ssyncpa.u1 $0x1  }
0x3f: {  	s31 =	simm.s32 $0x1;
	[sflag:s30] =	ssyncpa.u1 $0x1  }
0x40: {  	[sflag:s31] =	ssyncpa.u1 $0x1  }
0x41: {  	p0 =	sne.s32 s1, $0x0;
	_ =	strace $0x9000004A  }
0x42: {  	s0 =	sadd.s32 @!p0 $0x100000, s0;
	[bflag:$0x2] =	sbarrier.arrive $0xFFFF  }
0x43: {  	[sflag:s0] =	ssyncadd.tile.s32 @!p0 $0x1;
	_ =	shalt  }
.Lfunc_end2:
_tile_overlayer_lowered:
.L_overlay_start_2:
0x44: {  	(tag) =	ssettag $0x2  }
0x45: {  	s0 =	rddreg [dreg:$0x0];
	s2 =	stileid.u32  }
0x46: {  	s1 =	rddreg [dreg:$0x1];
	p0 =	sne.s32 s2, $0x0  }
0x47: {  	s3 =	rddreg [dreg:$0x2];
	[bflag:$0x3] =	sbarrier.arrive $0xFFFF;
	s2 =	simm.s32 @!p0 $0x1C01  }
0x48: {  	[timem:s3], [sflag:s2] =	dma.local @!p0 [hbm:s0], s1  }
0x49: {  	s0 =	simm.s32 @!p0 $0x1  }
0x4a: {  	_ =	swait.ge @!p0 [sflag:s0], s1  }
0x4b: {  	s1 =	ssub.s32 @!p0 $0x0, s1;
	[sflag:s0] =	ssyncset.done @!p0 $0x0  }
0x4c: {  	[sflag:s0] =	ssyncadd.s32 @!p0 s1  }
0x4d: {  	[bflag:$0x3] =	sbarrier.arrive $0xFFFF  }
0x4e: {  	_ =	shalt  }

// kernel: kernel.11.cloned.1.call-start
scs
__scs_entry_jumppad:
0x0: {  	(pc) =	sbr.rel $0x88, $3  }
0x1: {  	(tag) =	ssettag $0x0;
	lr =	simm.s32 $0x1  }
0x2: {  	[smem:$0x3F8E] =	sst lr;
	_ =	strace $0xD0000000  }
0x3: {  	_ = 	snop  }
0x4: {  	_ = 	snop  }
0x5: {  	_ = 	snop  }
0x6: {  	_ = 	snop  }
0x7: {  	_ = 	snop  }
__scs_overlays_trampoline_lowered:
0x8: {  	[smem:$0x3F9D] =	sst s0  }
0x9: {  	[smem:$0x3F9E] =	sst s1  }
0xa: {  	[smem:$0x3F9F] =	sst s2  }
0xb: {  	[smem:$0x3FA0] =	sst s3  }
0xc: {  	[smem:$0x3FA1] =	sst s4  }
0xd: {  	[smem:$0x3FA2] =	sst s5  }
0xe: {  	[smem:$0x3FA3] =	sst s6  }
0xf: {  	[smem:$0x3FA4] =	sst s7  }
0x10: {  	[smem:$0x3FA5] =	sst s8  }
0x11: {  	[smem:$0x3FA6] =	sst s9;
	s0 =	simm.s32 @!p0 $0x0  }
0x12: {  	s1 =	sld [smem:$0x3F8C];
	s0 =	simm.s32 @p0 $0x1  }
0x13: {  	[smem:$0x3FA7] =	sst s0;
	s0 =	simm.s32 @!p1 $0x0  }
0x14: {  	s2 =	sld [smem:$0x3F8B];
	s0 =	simm.s32 @p1 $0x1  }
0x15: {  	[smem:$0x3FA8] =	sst s0;
	s0 =	simm.s32 @!p2 $0x0  }
0x16: {  	s3 =	sld [smem:$0x3FDB];
	s0 =	simm.s32 @p2 $0x1  }
0x17: {  	s4 =	simm.s32 $0x1BF5;
	[smem:$0x3FAA] =	sst s0  }
0x18: {  	s0 =	sld [smem:$0x3F8D];
	_ =	swait.ge [sflag:s4], $0x0  }
0x19: {  	s7 =	sld [smem:$0x3F8E]  }
0x1a: {  	s8 =	sadd.s32 $0xFFFFE003, lr  }
0x1b: {  	s9 =	sadd.s32 $0xFFFFFEF7, lr;
	s5 =	simm.s32 $0xFFFFFFFF;
	p2 =	slt.u32 s8, $0xFFFFF086  }
0x1c: {  	p1 =	slt.u32 s9, $0xF7A;
	s5 =	simm.s32 @!p2 $0x0  }
0x1d: {  	s5 =	simm.s32 @p1 $0x1;
	p0 =	seq.s32 s7, s2  }
0x1e: {  	s7 =	smul.u32 @!p0 $0xF7A, s2;
	p2 =	seq.s32 @!p0 s5, $0x0  }
0x1f: {  	s9 =	smul.u32 $0xF7A, s1;
	s8 =	simm.s32 @!p0 $0x1BF5;
	p2 =	por !p2, p0  }
0x20: {  	[sflag:s8] =	ssyncset.s32 @!p0 $0xFFFFF086;
	s6 =	sadd.s32 @!p0 s3, s7;
	s7 =	simm.s32 @!p0 $0x108  }
0x21: {  	s3 =	sadd.s32 s3, s9;
	s6 =	sadd.s32 @!p0 $0x88, s6;
	s7 =	simm.s32 @p2 $0x1082  }
0x22: {  	[simem:s7], [sflag:s8] =	dma.local @!p0 [hbm:s6], $0xF7A  }
0x23: {  	s9 =	sor.u32 $0xD0000000, s2;
	s6 =	simm.s32 $0x108;
	_ =	swait.ge @!p0 [sflag:s8], $0x0  }
0x24: {  	s3 =	sadd.s32 $0x88, s3;
	s6 =	simm.s32 @!p1 $0x1082;
	[sflag:s4] =	ssyncset.s32 $0xFFFFF086  }
0x25: {  	[simem:s6], [sflag:s4] =	dma.local [hbm:s3], $0xF7A  }
0x26: {  	[smem:$0x3F8E] =	sst s1;
	(tag) =	ssettag s2;
	_ =	strace s9  }
0x27: {  	s1 =	sld [smem:$0x3F9E]  }
0x28: {  	s2 =	sld [smem:$0x3F9F]  }
0x29: {  	s4 =	sld [smem:$0x3FA1]  }
0x2a: {  	p0 =	seq.s32 s5, $0x0;
	s5 =	sld [smem:$0x3FA2]  }
0x2b: {  	s6 =	sld [smem:$0x3FA3]  }
0x2c: {  	s7 =	sld [smem:$0x3FA4]  }
0x2d: {  	s3 =	simm.s32 $0x108;
	s8 =	sld [smem:$0x3FA5]  }
0x2e: {  	s3 =	simm.s32 @!p0 $0x1082;
	s9 =	sld [smem:$0x3FA6]  }
0x2f: {  	lr =	sadd.s32 s0, s3;
	s0 =	sld [smem:$0x3F9D]  }
0x30: {  	s3 =	sld [smem:$0x3FA0]  }
0x31: {  	[smem:$0x3FA9] =	sst s10  }
0x32: {  	s10 =	sld [smem:$0x3FA7];
	_ =	sdelay $0x3  }
0x33: {  	p0 =	seq.s32 s10, $0x1;
	s10 =	sld [smem:$0x3FA9];
	_ =	sdelay $0x3  }
0x34: {  	[smem:$0x3FA9] =	sst s10  }
0x35: {  	s10 =	sld [smem:$0x3FA8];
	_ =	sdelay $0x3  }
0x36: {  	p1 =	seq.s32 s10, $0x1;
	s10 =	sld [smem:$0x3FA9];
	_ =	sdelay $0x3  }
0x37: {  	[smem:$0x3FA9] =	sst s10  }
0x38: {  	s10 =	sld [smem:$0x3FAA]  }
0x39: {  	_ = 	snop;
	(pc) =	sbr.ind lr, $3  }
0x3a: {  	_ = 	snop  }
0x3b: {  	_ = 	snop  }
0x3c: {  	p2 =	seq.s32 s10, $0x1;
	s10 =	sld [smem:$0x3FA9]  }
0x3d: {  	_ =	shalt  }
0x3e: {  	_ =	shalt  }
0x3f: {  	_ =	shalt  }
0x40: {  	_ =	shalt  }
0x41: {  	_ =	shalt  }
0x42: {  	_ =	shalt  }
0x43: {  	_ =	shalt  }
0x44: {  	_ =	shalt  }
0x45: {  	_ =	shalt  }
0x46: {  	_ =	shalt  }
0x47: {  	_ =	shalt  }
0x48: {  	_ =	shalt  }
0x49: {  	_ =	shalt  }
0x4a: {  	_ =	shalt  }
0x4b: {  	_ =	shalt  }
0x4c: {  	_ =	shalt  }
0x4d: {  	_ =	shalt  }
0x4e: {  	_ =	shalt  }
0x4f: {  	_ =	shalt  }
0x50: {  	_ =	shalt  }
0x51: {  	_ =	shalt  }
0x52: {  	_ =	shalt  }
0x53: {  	_ =	shalt  }
0x54: {  	_ =	shalt  }
0x55: {  	_ =	shalt  }
0x56: {  	_ =	shalt  }
0x57: {  	_ =	shalt  }
0x58: {  	_ =	shalt  }
0x59: {  	_ =	shalt  }
0x5a: {  	_ =	shalt  }
0x5b: {  	_ =	shalt  }
0x5c: {  	_ =	shalt  }
0x5d: {  	_ =	shalt  }
0x5e: {  	_ =	shalt  }
0x5f: {  	_ =	shalt  }
0x60: {  	_ =	shalt  }
0x61: {  	_ =	shalt  }
0x62: {  	_ =	shalt  }
0x63: {  	_ =	shalt  }
0x64: {  	_ =	shalt  }
0x65: {  	_ =	shalt  }
0x66: {  	_ =	shalt  }
0x67: {  	_ =	shalt  }
0x68: {  	_ =	shalt  }
0x69: {  	_ =	shalt  }
0x6a: {  	_ =	shalt  }
0x6b: {  	_ =	shalt  }
0x6c: {  	_ =	shalt  }
0x6d: {  	_ =	shalt  }
0x6e: {  	_ =	shalt  }
0x6f: {  	_ =	shalt  }
0x70: {  	_ =	shalt  }
0x71: {  	_ =	shalt  }
0x72: {  	_ =	shalt  }
0x73: {  	_ =	shalt  }
0x74: {  	_ =	shalt  }
0x75: {  	_ =	shalt  }
0x76: {  	_ =	shalt  }
0x77: {  	_ =	shalt  }
0x78: {  	_ =	shalt  }
0x79: {  	_ =	shalt  }
0x7a: {  	_ =	shalt  }
0x7b: {  	_ =	shalt  }
0x7c: {  	_ =	shalt  }
0x7d: {  	_ =	shalt  }
0x7e: {  	_ =	shalt  }
0x7f: {  	_ =	shalt  }
0x80: {  	_ =	shalt  }
0x81: {  	_ =	shalt  }
0x82: {  	_ =	shalt  }
0x83: {  	_ =	shalt  }
0x84: {  	_ =	shalt  }
0x85: {  	_ =	shalt  }
0x86: {  	_ =	shalt  }
0x87: {  	_ =	shalt  }
.Lfunc_end0:
.L_simem_size_0:
called_computation.3_lowered:
.L_overlay_start_0:
0x88: {  	s2 =	sld [smem:$0x3FD9]  }
0x89: {  	s3 =	sld [smem:$0x3FFE];
	_ =	sdelay $0x1  }
0x8a: {  	s1 =	srdreg.scid  }
0x8b: {  	s0 =	sand.u32 $0x1, s1  }
0x8c: {  	s16 =	sshll.u32 s0, $0xA;
	s2 =	sadd.s32 s3, s2  }
0x8d: {  	s2 =	sadd.s32 s2, s16  }
0x8e: {  	[smem:$0x3FB5] =	sst s2  }
0x8f: {  	_ = 	snop  }
0x90: {  	(tm) =	ssettm $0x1  }
0x91: {  	s17 =	sld [smem:$0x3FFB];
	_ =	sdelay $0x3  }
0x92: {  	_ =	strace s17  }
0x93: {  	s2 =	sld [smem:$0x3FFC];
	_ =	sdelay $0x3  }
0x94: {  	_ =	strace s2  }
0x95: {  	s2 =	sld [smem:$0x3FFD];
	_ =	sdelay $0x3  }
0x96: {  	_ =	strace s2  }
0x97: {  	_ =	strace $0x8FFFFFFF  }
0x98: {  	s18 =	sld [smem:$0x3FDB];
	_ =	sdelay $0x1  }
0x99: {  	s19 =	simm.s32 $_scs_section_size  }
0x9a: {  	s4 =	simm.s32 $_size__tile_overlayer_lowered;
	s5 =	simm.s32 $_tile_overlayer_lowered  }
0x9b: {  	s22 =	simm.s32 $0x1BFF;
	s21 =	sshll.u32 s5, $0x1;
	s2 =	sadd.s32 s19, s18  }
0x9c: {  	s6 =	simm.s32 $0x0;
	s20 =	sshll.u32 s4, $0x1;
	s4 =	sadd.s32 s21, s2  }
0x9d: {  	[timem:s6], [sflag:s22] =	dma.local [hbm:s4], s20  }
0x9e: {  	_ =	swait.ge [sflag:s22], s20  }
0x9f: {  	s3 =	ssub.s32 $0x0, s20;
	[sflag:s22] =	ssyncset.done $0x0  }
0xa0: {  	[sflag:s22] =	ssyncadd.s32 s3;
	_ =	sdelay $0x1  }
0xa1: {  	s23 =	simm.s32 $0x1B8B  }
0xa2: {  	_ =	swait.ge [sflag:s23], $0x1  }
0xa3: {  	[sflag:s23] =	ssyncset.done $0x0  }
0xa4: {  	s25 =	simm.s32 $0x1B8E;
	s24 =	sld [smem:$0x3FFE];
	[sflag:s23] =	ssyncadd.s32 $0xFFFFFFFF  }
0xa5: {  	s26 =	simm.s32 $execute0_lowered;
	[smem:$0x3FD2] =	sst s25  }
0xa6: {  	s4 =	sshll.u32 s26, $0x1;
	_ =	strace $0x8000004F;
	[dreg:$0x1] =	wrdreg $0xFFFFFFFF  }
0xa7: {  	s28 =	simm.s32 $_size_execute0_lowered;
	s2 =	sadd.s32 s2, s4;
	[dreg:$0x0] =	wrdreg $0x0  }
0xa8: {  	s4 =	sshll.u32 s28, $0x1;
	[dreg:$0x2] =	wrdreg s2  }
0xa9: {  	[dreg:$0x3] =	wrdreg s4  }
0xaa: {  	[dreg:$0x4] =	wrdreg $0xC0  }
0xab: {  	_ =	task [dreg:s6], $0x5FFFF  }
0xac: {  	[dreg:$0x1] =	wrdreg $0xFFFFFFFF  }
0xad: {  	[dreg:$0x0] =	wrdreg $0x60  }
0xae: {  	[dreg:$0x2] =	wrdreg s24  }
0xaf: {  	[dreg:$0x3] =	wrdreg $0x9  }
0xb0: {  	_ =	task.clear_ibuf [dreg:s6], $0x4FFFF;
	_ =	strace $0x9000004F  }
0xb1: {  	s29 =	simm.s32 $0x9;
	_ =	strace $0x80000051  }
0xb2: {  	_ =	swait.ge [sflag:s29], $0x1  }
0xb3: {  	[sflag:s29] =	ssyncadd.s32 $0xFFFFFFFF  }
0xb4: {  	_ =	strace $0x90000051  }
0xb5: {  	_ =	sfence  }
0xb6: {  	s30 =	sld [smem:$0x0];
	_ =	sdelay $0x2  }
0xb7: {  	s31 =	sshll.u32 s1, $0xD;
	s1 =	sshrl.u32 s1, $0x2  }
0xb8: {  	s3 =	sand.u32 $0x4000, s31;
	s1 =	sadd.s32 s1, s30  }
0xb9: {  	s0 =	sor.u32 s3, s0;
	s1 =	sshll.u32 s1, $0x11  }
0xba: {  	s0 =	sor.u32 s1, s0  }
0xbb: {  	s0 =	sadd.s32 $0x8F2B, s0  }
0xbc: {  	[sflag:s0] =	ssyncadd.remote.s32 $0x1  }
0xbd: {  	_ =	sfence.sel $0xFFFF  }
0xbe: {  	[dreg:$0x0] =	wrdreg $0xFFFFFFFF;
	(pc) =	sbr.abs _section_cstart, $3  }
0xbf: {  	[dreg:$0x1] =	wrdreg $0xFFFFFFFF  }
0xc0: {  	_ =	task.clear_ibuf [dreg:s6], $0x2FFFF;
	_ =	strace $0x9FFFFFFF  }
0xc1: {  	(tm) =	ssettm $0x7FFFFFFF  }
tec
execute0_lowered:
.L_overlay_start_1:
0x0: {  	(tag) =	ssettag $0x1  }
0x1: {  	s0 =	rddreg [dreg:$0x0]  }
0x2: {  	s2 =	simm.s32 $0x0;
	s7 =	stileid.u32;
	s1 =	srdreg.scid  }
0x3: {  	s9 =	simm.s32 $0x4800;
	s10 =	simm.s32 $0x4000;
	s11 =	simm.s32 $0x80  }
0x4: {  	s12 =	simm.s32 $0x1;
	s28 =	simm.s32 $0x4400;
	s29 =	simm.s32 $0x4C00  }
0x5: {  	s30 =	simm.s32 $0x4480;
	s31 =	simm.s32 $0x4C80;
	s13 =	simm.s32 $0x4580  }
0x6: {  	s14 =	simm.s32 $0x4D80;
	s15 =	simm.s32 $0x4600;
	s16 =	simm.s32 $0x4E00  }
0x7: {  	s17 =	simm.s32 $0x4680;
	s18 =	simm.s32 $0x4E80;
	s19 =	simm.s32 $0x4700  }
0x8: {  	s20 =	simm.s32 $0x4F00;
	s21 =	simm.s32 $0x4780;
	s22 =	simm.s32 $0x4F80  }
0x9: {  	s23 =	simm.s32 $0x0;
	[smem:$0x7FF] =	sst s2;
	s3 =	sshll.u32 s7, $0x8  }
0xa: {  	s1 =	sand.u32 $0x1, s1;
	s6 =	sshll.u32 s7, $0xD;
	s7 =	sshll.u32 s7, $0xF  }
0xb: {  	_ =	strace $0x80000050;
	s5 =	sadd.s32 s3, s0;
	s4 =	ssub.s32 $0x2, s1  }
.Ltmp0:
0xc: {  	s3 =	sadd.s32 $0x5E00, s0;
	s6 =	sand.u32 $0x10000, s6;
	(pc) =	sbr.rel .LBB2_1-.Ltmp0, $4  }
0xd: {  	p0 =	sne.s32 s1, $0x0;
	s1 =	simm.s32 $0x4D00;
	s26 =	sshrl.u32 s4, $0x1  }
0xe: {  	s8 =	sadd.s32 s6, s3;
	s0 =	ssub.s32 s4, s26;
	s4 =	sadd.s32 $0x4E00, s5  }
0xf: {  	s5 =	sadd.s32 $0x3C00, s5;
	s7 =	sadd.s32 s7, s8;
	s8 =	simm.s32 $0x2  }
0x10: {  	v0 =	vimm.f32 $0.0e+00;
	s26 =	simm.s32 $0x4B80;
	s6 =	smax.u32 s0, $0x1;
	s0 =	simm.s32 $0x4500  }
.LBB2_7:
0x11: {  	[bflag:$0x0] =	sbarrier.arrive $0xFFFF  }
.LBB2_8:
0x12: {  	s23 =	sadd.s32 $0x1, s23  }
0x13: {  	p1 =	sne.s32 s23, s6  }
.Ltmp1:
0x14: {  	_ = 	snop;
	(pc) =	sbr.rel @!p1 .LBB2_9-.Ltmp1, $1  }
0x15: {  	_ =	sdelay $0x3  }
.LBB2_1:
.Ltmp2:
0x16: {  	(pc) =	sbr.rel @p0 .LBB2_7-.Ltmp2, $1  }
0x17: {  	_ =	sdelay $0x3  }
0x18: {  	s24 =	simm.s32 $0x40;
	s25 =	simm.s32 $0x0  }
.LBB2_3:
0x19: {  	p1 =	sne.s32 s24, $0xFFC0;
	[tilespmem:s25+$0x0] =	vst v0;
	s25 =	smov.u32 s24;
	s24 =	sadd.s32 $0x40, s24  }
.Ltmp3:
0x1a: {  	(pc) =	sbr.rel @p1 .LBB2_3-.Ltmp3, $2  }
0x1b: {  	_ =	sdelay $0x2  }
0x1c: {  	s25 =	sshra.s32 s25, $0x2  }
0x1d: {  	[tilespmem:s25+$0x0] =	vst v0;
	s24 =	sadd.s32 $0x0, s7  }
0x1e: {  	[hbm4b:s24+s2] =	stream.linear.scatter [tilespmem:s2], [sflag:$0x2], $0x4000, $0x38;
	[tilespmem:$0x5000] =	vst v63  }
0x1f: {  	_ =	swait.ge [sflag:s8], $0x4000  }
0x20: {  	s24 =	simm.s32 $0x800;
	[sflag:s8] =	ssyncset.done $0x0  }
.LBB2_5:
0x21: {  	s25 =	sadd.s32 s24, s7;
	[sflag:s8] =	ssyncadd.s32 $0xFFFFC000;
	p1 =	sne.s32 s24, $0x7800  }
0x22: {  	[hbm4b:s25+s2] =	stream.linear.scatter [tilespmem:s2], [sflag:$0x2], $0x4000, $0x38;
	[tilespmem:$0x5000] =	vst v63  }
.Ltmp4:
0x23: {  	_ = 	snop;
	(pc) =	sbr.rel @p1 .LBB2_5-.Ltmp4, $4  }
0x24: {  	_ = 	snop  }
0x25: {  	s24 =	sadd.s32 $0x800, s24  }
0x26: {  	_ =	swait.ge [sflag:s8], $0x4000  }
0x27: {  	[sflag:s8] =	ssyncset.done $0x0  }
0x28: {  	[sflag:s8] =	ssyncadd.s32 $0xFFFFC000  }
0x29: {  	[bflag:$0x0] =	sbarrier.arrive $0xFFFF  }
0x2a: {  	[tilespmem:s9], [sflag:$0x2] =	stream.linear.gather [hbm4b:s4+s2], $0x800, $0x38;
	[tilespmem:$0x5000] =	vst v63  }
0x2b: {  	_ =	swait.ge [sflag:s8], $0x800  }
0x2c: {  	[sflag:s8] =	ssyncset.done $0x0  }
0x2d: {  	[sflag:s8] =	ssyncadd.s32 $0xFFFFF800  }
0x2e: {  	[tilespmem:s10], [sflag:$0x2] =	stream.linear.gather [hbm4b:s5+s2], $0x800, $0x38;
	[tilespmem:$0x5000] =	vst v63  }
0x2f: {  	_ =	swait.ge [sflag:s8], $0x800  }
0x30: {  	[sflag:s8] =	ssyncset.done $0x0  }
0x31: {  	[sflag:s8] =	ssyncadd.s32 $0xFFFFF800  }
0x32: {  	[hbm4b:s3+s11] =	stream.indirect.scatter [tilespmem:s9], [sflag:$0x1], $0x1, s10, s11, $0xb8;
	[tilespmem:$0x5000] =	vst v63  }
0x33: {  	_ =	swait.ge [sflag:s12], $0x80  }
0x34: {  	[sflag:s12] =	ssyncset.done $0x0  }
0x35: {  	s24 =	simm.s32 $0x4080;
	s25 =	simm.s32 $0x4880;
	[sflag:s12] =	ssyncadd.s32 $0xFFFFFF80  }
0x36: {  	[hbm4b:s3+s11] =	stream.indirect.scatter [tilespmem:s25], [sflag:$0x1], $0x1, s24, s11, $0xb8;
	[tilespmem:$0x5000] =	vst v63  }
0x37: {  	_ =	swait.ge [sflag:s12], $0x80  }
0x38: {  	[sflag:s12] =	ssyncset.done $0x0  }
0x39: {  	s24 =	simm.s32 $0x4100;
	s25 =	simm.s32 $0x4900;
	[sflag:s12] =	ssyncadd.s32 $0xFFFFFF80  }
0x3a: {  	[hbm4b:s3+s11] =	stream.indirect.scatter [tilespmem:s25], [sflag:$0x1], $0x1, s24, s11, $0xb8;
	[tilespmem:$0x5000] =	vst v63  }
0x3b: {  	_ =	swait.ge [sflag:s12], $0x80  }
0x3c: {  	[sflag:s12] =	ssyncset.done $0x0  }
0x3d: {  	s24 =	simm.s32 $0x4180;
	s25 =	simm.s32 $0x4980;
	[sflag:s12] =	ssyncadd.s32 $0xFFFFFF80  }
0x3e: {  	[hbm4b:s3+s11] =	stream.indirect.scatter [tilespmem:s25], [sflag:$0x1], $0x1, s24, s11, $0xb8;
	[tilespmem:$0x5000] =	vst v63  }
0x3f: {  	_ =	swait.ge [sflag:s12], $0x80  }
0x40: {  	[sflag:s12] =	ssyncset.done $0x0  }
0x41: {  	s24 =	simm.s32 $0x4200;
	s25 =	simm.s32 $0x4A00;
	[sflag:s12] =	ssyncadd.s32 $0xFFFFFF80  }
0x42: {  	[hbm4b:s3+s11] =	stream.indirect.scatter [tilespmem:s25], [sflag:$0x1], $0x1, s24, s11, $0xb8;
	[tilespmem:$0x5000] =	vst v63  }
0x43: {  	_ =	swait.ge [sflag:s12], $0x80  }
0x44: {  	[sflag:s12] =	ssyncset.done $0x0  }
0x45: {  	s24 =	simm.s32 $0x4280;
	s25 =	simm.s32 $0x4A80;
	[sflag:s12] =	ssyncadd.s32 $0xFFFFFF80  }
0x46: {  	[hbm4b:s3+s11] =	stream.indirect.scatter [tilespmem:s25], [sflag:$0x1], $0x1, s24, s11, $0xb8;
	[tilespmem:$0x5000] =	vst v63  }
0x47: {  	_ =	swait.ge [sflag:s12], $0x80  }
0x48: {  	[sflag:s12] =	ssyncset.done $0x0  }
0x49: {  	s24 =	simm.s32 $0x4300;
	s25 =	simm.s32 $0x4B00;
	[sflag:s12] =	ssyncadd.s32 $0xFFFFFF80  }
0x4a: {  	[hbm4b:s3+s11] =	stream.indirect.scatter [tilespmem:s25], [sflag:$0x1], $0x1, s24, s11, $0xb8;
	[tilespmem:$0x5000] =	vst v63  }
0x4b: {  	_ =	swait.ge [sflag:s12], $0x80  }
0x4c: {  	[sflag:s12] =	ssyncset.done $0x0  }
0x4d: {  	s25 =	simm.s32 $0x4380;
	[sflag:s12] =	ssyncadd.s32 $0xFFFFFF80  }
0x4e: {  	[hbm4b:s3+s11] =	stream.indirect.scatter [tilespmem:s26], [sflag:$0x1], $0x1, s25, s11, $0xb8;
	[tilespmem:$0x5000] =	vst v63  }
0x4f: {  	_ =	swait.ge [sflag:s12], $0x80  }
0x50: {  	[sflag:s12] =	ssyncset.done $0x0  }
0x51: {  	[sflag:s12] =	ssyncadd.s32 $0xFFFFFF80  }
0x52: {  	[hbm4b:s3+s11] =	stream.indirect.scatter [tilespmem:s29], [sflag:$0x1], $0x1, s28, s11, $0xb8;
	[tilespmem:$0x5000] =	vst v63  }
0x53: {  	_ =	swait.ge [sflag:s12], $0x80  }
0x54: {  	[sflag:s12] =	ssyncset.done $0x0  }
0x55: {  	[sflag:s12] =	ssyncadd.s32 $0xFFFFFF80  }
0x56: {  	[hbm4b:s3+s11] =	stream.indirect.scatter [tilespmem:s31], [sflag:$0x1], $0x1, s30, s11, $0xb8;
	[tilespmem:$0x5000] =	vst v63  }
0x57: {  	_ =	swait.ge [sflag:s12], $0x80  }
0x58: {  	[sflag:s12] =	ssyncset.done $0x0  }
0x59: {  	[sflag:s12] =	ssyncadd.s32 $0xFFFFFF80  }
0x5a: {  	[hbm4b:s3+s11] =	stream.indirect.scatter [tilespmem:s1], [sflag:$0x1], $0x1, s0, s11, $0xb8;
	[tilespmem:$0x5000] =	vst v63  }
0x5b: {  	_ =	swait.ge [sflag:s12], $0x80  }
0x5c: {  	[sflag:s12] =	ssyncset.done $0x0  }
0x5d: {  	[sflag:s12] =	ssyncadd.s32 $0xFFFFFF80  }
0x5e: {  	[hbm4b:s3+s11] =	stream.indirect.scatter [tilespmem:s14], [sflag:$0x1], $0x1, s13, s11, $0xb8;
	[tilespmem:$0x5000] =	vst v63  }
0x5f: {  	_ =	swait.ge [sflag:s12], $0x80  }
0x60: {  	[sflag:s12] =	ssyncset.done $0x0  }
0x61: {  	[sflag:s12] =	ssyncadd.s32 $0xFFFFFF80  }
0x62: {  	[hbm4b:s3+s11] =	stream.indirect.scatter [tilespmem:s16], [sflag:$0x1], $0x1, s15, s11, $0xb8;
	[tilespmem:$0x5000] =	vst v63  }
0x63: {  	_ =	swait.ge [sflag:s12], $0x80  }
0x64: {  	[sflag:s12] =	ssyncset.done $0x0  }
0x65: {  	[sflag:s12] =	ssyncadd.s32 $0xFFFFFF80  }
0x66: {  	[hbm4b:s3+s11] =	stream.indirect.scatter [tilespmem:s18], [sflag:$0x1], $0x1, s17, s11, $0xb8;
	[tilespmem:$0x5000] =	vst v63  }
0x67: {  	_ =	swait.ge [sflag:s12], $0x80  }
0x68: {  	[sflag:s12] =	ssyncset.done $0x0  }
0x69: {  	[sflag:s12] =	ssyncadd.s32 $0xFFFFFF80  }
0x6a: {  	[hbm4b:s3+s11] =	stream.indirect.scatter [tilespmem:s20], [sflag:$0x1], $0x1, s19, s11, $0xb8;
	[tilespmem:$0x5000] =	vst v63  }
0x6b: {  	_ =	swait.ge [sflag:s12], $0x80  }
0x6c: {  	[sflag:s12] =	ssyncset.done $0x0  }
.Ltmp5:
0x6d: {  	[sflag:s12] =	ssyncadd.s32 $0xFFFFFF80;
	(pc) =	sbr.rel .LBB2_8-.Ltmp5, $4  }
0x6e: {  	[hbm4b:s3+s11] =	stream.indirect.scatter [tilespmem:s22], [sflag:$0x1], $0x1, s21, s11, $0xb8;
	[tilespmem:$0x5000] =	vst v63  }
0x6f: {  	_ =	swait.ge [sflag:s12], $0x80  }
0x70: {  	[sflag:s12] =	ssyncset.done $0x0  }
0x71: {  	[sflag:s12] =	ssyncadd.s32 $0xFFFFFF80  }
.LBB2_9:
0x72: {  	_ =	sfence.sel $0x180000  }
0x73: {  	[bflag:$0x0] =	sbarrier.arrive $0xFFFF  }
0x74: {  	_ =	strace $0x90000050  }
0x75: {  	s0 =	stileid.u32;
	[bflag:$0x2] =	sbarrier.arrive $0xFFFF  }
0x76: {  	p0 =	sne.s32 s0, $0x0;
	s0 =	rddreg [dreg:$0x1]  }
0x77: {  	s0 =	sadd.s32 @!p0 $0x100000, s0  }
0x78: {  	[sflag:s0] =	ssyncadd.tile.s32 @!p0 $0x1;
	_ =	shalt  }
.Lfunc_end2:
_tile_overlayer_lowered:
.L_overlay_start_2:
0x79: {  	(tag) =	ssettag $0x2  }
0x7a: {  	s0 =	rddreg [dreg:$0x0];
	s2 =	stileid.u32  }
0x7b: {  	s1 =	rddreg [dreg:$0x1];
	p0 =	sne.s32 s2, $0x0  }
0x7c: {  	s3 =	rddreg [dreg:$0x2];
	[bflag:$0x3] =	sbarrier.arrive $0xFFFF;
	s2 =	simm.s32 @!p0 $0x1C02  }
0x7d: {  	[timem:s3], [sflag:s2] =	dma.local @!p0 [hbm:s0], s1  }
0x7e: {  	s0 =	simm.s32 @!p0 $0x2  }
0x7f: {  	_ =	swait.ge @!p0 [sflag:s0], s1  }
0x80: {  	s1 =	ssub.s32 @!p0 $0x0, s1;
	[sflag:s0] =	ssyncset.done @!p0 $0x0  }
0x81: {  	[sflag:s0] =	ssyncadd.s32 @!p0 s1  }
0x82: {  	[bflag:$0x3] =	sbarrier.arrive $0xFFFF  }
0x83: {  	_ =	shalt  }

// kernel: kernel.8.cloned.1.call-start
scs
__scs_entry_jumppad:
0x0: {  	(pc) =	sbr.rel $0x88, $3  }
0x1: {  	(tag) =	ssettag $0x0;
	lr =	simm.s32 $0x1  }
0x2: {  	[smem:$0x3F8E] =	sst lr;
	_ =	strace $0xD0000000  }
0x3: {  	_ = 	snop  }
0x4: {  	_ = 	snop  }
0x5: {  	_ = 	snop  }
0x6: {  	_ = 	snop  }
0x7: {  	_ = 	snop  }
__scs_overlays_trampoline_lowered:
0x8: {  	[smem:$0x3F9D] =	sst s0  }
0x9: {  	[smem:$0x3F9E] =	sst s1  }
0xa: {  	[smem:$0x3F9F] =	sst s2  }
0xb: {  	[smem:$0x3FA0] =	sst s3  }
0xc: {  	[smem:$0x3FA1] =	sst s4  }
0xd: {  	[smem:$0x3FA2] =	sst s5  }
0xe: {  	[smem:$0x3FA3] =	sst s6  }
0xf: {  	[smem:$0x3FA4] =	sst s7  }
0x10: {  	[smem:$0x3FA5] =	sst s8  }
0x11: {  	[smem:$0x3FA6] =	sst s9;
	s0 =	simm.s32 @!p0 $0x0  }
0x12: {  	s1 =	sld [smem:$0x3F8C];
	s0 =	simm.s32 @p0 $0x1  }
0x13: {  	[smem:$0x3FA7] =	sst s0;
	s0 =	simm.s32 @!p1 $0x0  }
0x14: {  	s2 =	sld [smem:$0x3F8B];
	s0 =	simm.s32 @p1 $0x1  }
0x15: {  	[smem:$0x3FA8] =	sst s0;
	s0 =	simm.s32 @!p2 $0x0  }
0x16: {  	s3 =	sld [smem:$0x3FDB];
	s0 =	simm.s32 @p2 $0x1  }
0x17: {  	s4 =	simm.s32 $0x1BF5;
	[smem:$0x3FAA] =	sst s0  }
0x18: {  	s0 =	sld [smem:$0x3F8D];
	_ =	swait.ge [sflag:s4], $0x0  }
0x19: {  	s7 =	sld [smem:$0x3F8E]  }
0x1a: {  	s8 =	sadd.s32 $0xFFFFE003, lr  }
0x1b: {  	s9 =	sadd.s32 $0xFFFFFEF7, lr;
	s5 =	simm.s32 $0xFFFFFFFF;
	p2 =	slt.u32 s8, $0xFFFFF086  }
0x1c: {  	p1 =	slt.u32 s9, $0xF7A;
	s5 =	simm.s32 @!p2 $0x0  }
0x1d: {  	s5 =	simm.s32 @p1 $0x1;
	p0 =	seq.s32 s7, s2  }
0x1e: {  	s7 =	smul.u32 @!p0 $0xF7A, s2;
	p2 =	seq.s32 @!p0 s5, $0x0  }
0x1f: {  	s9 =	smul.u32 $0xF7A, s1;
	s8 =	simm.s32 @!p0 $0x1BF5;
	p2 =	por !p2, p0  }
0x20: {  	[sflag:s8] =	ssyncset.s32 @!p0 $0xFFFFF086;
	s6 =	sadd.s32 @!p0 s3, s7;
	s7 =	simm.s32 @!p0 $0x108  }
0x21: {  	s3 =	sadd.s32 s3, s9;
	s6 =	sadd.s32 @!p0 $0x88, s6;
	s7 =	simm.s32 @p2 $0x1082  }
0x22: {  	[simem:s7], [sflag:s8] =	dma.local @!p0 [hbm:s6], $0xF7A  }
0x23: {  	s9 =	sor.u32 $0xD0000000, s2;
	s6 =	simm.s32 $0x108;
	_ =	swait.ge @!p0 [sflag:s8], $0x0  }
0x24: {  	s3 =	sadd.s32 $0x88, s3;
	s6 =	simm.s32 @!p1 $0x1082;
	[sflag:s4] =	ssyncset.s32 $0xFFFFF086  }
0x25: {  	[simem:s6], [sflag:s4] =	dma.local [hbm:s3], $0xF7A  }
0x26: {  	[smem:$0x3F8E] =	sst s1;
	(tag) =	ssettag s2;
	_ =	strace s9  }
0x27: {  	s1 =	sld [smem:$0x3F9E]  }
0x28: {  	s2 =	sld [smem:$0x3F9F]  }
0x29: {  	s4 =	sld [smem:$0x3FA1]  }
0x2a: {  	p0 =	seq.s32 s5, $0x0;
	s5 =	sld [smem:$0x3FA2]  }
0x2b: {  	s6 =	sld [smem:$0x3FA3]  }
0x2c: {  	s7 =	sld [smem:$0x3FA4]  }
0x2d: {  	s3 =	simm.s32 $0x108;
	s8 =	sld [smem:$0x3FA5]  }
0x2e: {  	s3 =	simm.s32 @!p0 $0x1082;
	s9 =	sld [smem:$0x3FA6]  }
0x2f: {  	lr =	sadd.s32 s0, s3;
	s0 =	sld [smem:$0x3F9D]  }
0x30: {  	s3 =	sld [smem:$0x3FA0]  }
0x31: {  	[smem:$0x3FA9] =	sst s10  }
0x32: {  	s10 =	sld [smem:$0x3FA7];
	_ =	sdelay $0x3  }
0x33: {  	p0 =	seq.s32 s10, $0x1;
	s10 =	sld [smem:$0x3FA9];
	_ =	sdelay $0x3  }
0x34: {  	[smem:$0x3FA9] =	sst s10  }
0x35: {  	s10 =	sld [smem:$0x3FA8];
	_ =	sdelay $0x3  }
0x36: {  	p1 =	seq.s32 s10, $0x1;
	s10 =	sld [smem:$0x3FA9];
	_ =	sdelay $0x3  }
0x37: {  	[smem:$0x3FA9] =	sst s10  }
0x38: {  	s10 =	sld [smem:$0x3FAA]  }
0x39: {  	_ = 	snop;
	(pc) =	sbr.ind lr, $3  }
0x3a: {  	_ = 	snop  }
0x3b: {  	_ = 	snop  }
0x3c: {  	p2 =	seq.s32 s10, $0x1;
	s10 =	sld [smem:$0x3FA9]  }
0x3d: {  	_ =	shalt  }
0x3e: {  	_ =	shalt  }
0x3f: {  	_ =	shalt  }
0x40: {  	_ =	shalt  }
0x41: {  	_ =	shalt  }
0x42: {  	_ =	shalt  }
0x43: {  	_ =	shalt  }
0x44: {  	_ =	shalt  }
0x45: {  	_ =	shalt  }
0x46: {  	_ =	shalt  }
0x47: {  	_ =	shalt  }
0x48: {  	_ =	shalt  }
0x49: {  	_ =	shalt  }
0x4a: {  	_ =	shalt  }
0x4b: {  	_ =	shalt  }
0x4c: {  	_ =	shalt  }
0x4d: {  	_ =	shalt  }
0x4e: {  	_ =	shalt  }
0x4f: {  	_ =	shalt  }
0x50: {  	_ =	shalt  }
0x51: {  	_ =	shalt  }
0x52: {  	_ =	shalt  }
0x53: {  	_ =	shalt  }
0x54: {  	_ =	shalt  }
0x55: {  	_ =	shalt  }
0x56: {  	_ =	shalt  }
0x57: {  	_ =	shalt  }
0x58: {  	_ =	shalt  }
0x59: {  	_ =	shalt  }
0x5a: {  	_ =	shalt  }
0x5b: {  	_ =	shalt  }
0x5c: {  	_ =	shalt  }
0x5d: {  	_ =	shalt  }
0x5e: {  	_ =	shalt  }
0x5f: {  	_ =	shalt  }
0x60: {  	_ =	shalt  }
0x61: {  	_ =	shalt  }
0x62: {  	_ =	shalt  }
0x63: {  	_ =	shalt  }
0x64: {  	_ =	shalt  }
0x65: {  	_ =	shalt  }
0x66: {  	_ =	shalt  }
0x67: {  	_ =	shalt  }
0x68: {  	_ =	shalt  }
0x69: {  	_ =	shalt  }
0x6a: {  	_ =	shalt  }
0x6b: {  	_ =	shalt  }
0x6c: {  	_ =	shalt  }
0x6d: {  	_ =	shalt  }
0x6e: {  	_ =	shalt  }
0x6f: {  	_ =	shalt  }
0x70: {  	_ =	shalt  }
0x71: {  	_ =	shalt  }
0x72: {  	_ =	shalt  }
0x73: {  	_ =	shalt  }
0x74: {  	_ =	shalt  }
0x75: {  	_ =	shalt  }
0x76: {  	_ =	shalt  }
0x77: {  	_ =	shalt  }
0x78: {  	_ =	shalt  }
0x79: {  	_ =	shalt  }
0x7a: {  	_ =	shalt  }
0x7b: {  	_ =	shalt  }
0x7c: {  	_ =	shalt  }
0x7d: {  	_ =	shalt  }
0x7e: {  	_ =	shalt  }
0x7f: {  	_ =	shalt  }
0x80: {  	_ =	shalt  }
0x81: {  	_ =	shalt  }
0x82: {  	_ =	shalt  }
0x83: {  	_ =	shalt  }
0x84: {  	_ =	shalt  }
0x85: {  	_ =	shalt  }
0x86: {  	_ =	shalt  }
0x87: {  	_ =	shalt  }
.Lfunc_end0:
.L_simem_size_0:
called_computation.2_lowered:
.L_overlay_start_0:
0x88: {  	s2 =	sld [smem:$0x3FD9]  }
0x89: {  	s3 =	sld [smem:$0x3FFE];
	_ =	sdelay $0x1  }
0x8a: {  	s1 =	srdreg.scid  }
0x8b: {  	s0 =	sand.u32 $0x1, s1  }
0x8c: {  	s17 =	sshll.u32 s0, $0xA;
	s2 =	sadd.s32 s3, s2  }
0x8d: {  	s2 =	sadd.s32 s2, s17  }
0x8e: {  	[smem:$0x3FB5] =	sst s2  }
0x8f: {  	_ = 	snop  }
0x90: {  	(tm) =	ssettm $0x1  }
0x91: {  	s18 =	sld [smem:$0x3FFB];
	_ =	sdelay $0x3  }
0x92: {  	_ =	strace s18  }
0x93: {  	s2 =	sld [smem:$0x3FFC];
	_ =	sdelay $0x3  }
0x94: {  	_ =	strace s2  }
0x95: {  	s2 =	sld [smem:$0x3FFD];
	_ =	sdelay $0x3  }
0x96: {  	_ =	strace s2  }
0x97: {  	_ =	strace $0x8FFFFFFF  }
0x98: {  	s19 =	sld [smem:$0x3FDB];
	_ =	sdelay $0x1  }
0x99: {  	s20 =	simm.s32 $_scs_section_size  }
0x9a: {  	s4 =	simm.s32 $_size__tile_overlayer_lowered;
	s5 =	simm.s32 $_tile_overlayer_lowered  }
0x9b: {  	s6 =	simm.s32 $0x1BFF;
	s21 =	sshll.u32 s5, $0x1;
	s3 =	sadd.s32 s20, s19  }
0x9c: {  	s22 =	simm.s32 $0x0;
	s4 =	sshll.u32 s4, $0x1;
	s5 =	sadd.s32 s21, s3  }
0x9d: {  	[timem:s22], [sflag:s6] =	dma.local [hbm:s5], s4  }
0x9e: {  	_ =	swait.ge [sflag:s6], s4  }
0x9f: {  	s4 =	ssub.s32 $0x0, s4;
	[sflag:s6] =	ssyncset.done $0x0  }
0xa0: {  	[sflag:s6] =	ssyncadd.s32 s4;
	_ =	sdelay $0x1  }
0xa1: {  	s23 =	simm.s32 $0x1B8B  }
0xa2: {  	_ =	swait.ge [sflag:s23], $0x1  }
0xa3: {  	[sflag:s23] =	ssyncset.done $0x0  }
0xa4: {  	[sflag:s23] =	ssyncadd.s32 $0xFFFFFFFF  }
0xa5: {  	s4 =	sld [smem:$0x0]  }
0xa6: {  	s5 =	sand.u32 $0xFFFFFFFE, s1  }
0xa7: {  	p0 =	sne.s32 s1, s5  }
0xa8: {  	s5 =	sshll.u32 @p0 s5, $0xE  }
0xa9: {  	s5 =	sadd.s32 @p0 $0x11B8D, s5;
	s6 =	sshll.u32 @p0 s4, $0x11  }
0xaa: {  	s5 =	sor.u32 @p0 s6, s5  }
0xab: {  	[sflag:s5] =	ssyncadd.remote.s32 @p0 $0x1;
	_ =	sdelay $0x1  }
0xac: {  	s5 =	simm.s32 @p0 $0x1B8D  }
0xad: {  	_ =	swait.eq @p0 [sflag:s5], $0x1  }
0xae: {  	[sflag:s5] =	ssyncadd.s32 @p0 $0xFFFFFFFF  }
0xaf: {  	s6 =	sshll.u32 @!p0 s1, $0xE  }
0xb0: {  	s6 =	sor.u32 @!p0 $0x4000, s6;
	s5 =	simm.s32 @!p0 $0x1B8D  }
0xb1: {  	s4 =	sshll.u32 @!p0 s4, $0x11;
	s6 =	sadd.s32 @!p0 $0x11B8D, s6;
	_ =	swait.eq @!p0 [sflag:s5], $0x1  }
0xb2: {  	s4 =	sor.u32 @!p0 s4, s6;
	[sflag:s5] =	ssyncadd.s32 @!p0 $0xFFFFFFFF  }
0xb3: {  	s25 =	simm.s32 $0x1B8E;
	s24 =	sld [smem:$0x3FFE];
	[sflag:s4] =	ssyncadd.remote.s32 @!p0 $0x1  }
0xb4: {  	s26 =	simm.s32 $execute0_lowered;
	[smem:$0x3FD2] =	sst s25  }
0xb5: {  	s5 =	sshll.u32 s26, $0x1;
	_ =	strace $0x8000004C;
	[dreg:$0x1] =	wrdreg $0xFFFFFFFF  }
0xb6: {  	s28 =	simm.s32 $_size_execute0_lowered;
	s3 =	sadd.s32 s3, s5;
	[dreg:$0x0] =	wrdreg $0x0  }
0xb7: {  	s5 =	sshll.u32 s28, $0x1;
	[dreg:$0x2] =	wrdreg s3  }
0xb8: {  	[dreg:$0x3] =	wrdreg s5  }
0xb9: {  	[dreg:$0x4] =	wrdreg $0xC0  }
0xba: {  	_ =	task [dreg:s22], $0x5FFFF  }
0xbb: {  	[dreg:$0x1] =	wrdreg $0xFFFFFFFF  }
0xbc: {  	[dreg:$0x0] =	wrdreg $0x60  }
0xbd: {  	[dreg:$0x2] =	wrdreg s24  }
0xbe: {  	[dreg:$0x3] =	wrdreg $0xA  }
0xbf: {  	_ =	task.clear_ibuf [dreg:s22], $0x4FFFF;
	_ =	strace $0x9000004C  }
0xc0: {  	s29 =	simm.s32 $0xA;
	_ =	strace $0x8000004E  }
0xc1: {  	_ =	swait.ge [sflag:s29], $0x1  }
0xc2: {  	[sflag:s29] =	ssyncadd.s32 $0xFFFFFFFF  }
0xc3: {  	_ =	strace $0x9000004E  }
0xc4: {  	_ =	sfence  }
0xc5: {  	s30 =	sld [smem:$0x0];
	_ =	sdelay $0x2  }
0xc6: {  	s31 =	sshll.u32 s1, $0xD;
	s1 =	sshrl.u32 s1, $0x2  }
0xc7: {  	s4 =	sand.u32 $0x4000, s31;
	s1 =	sadd.s32 s1, s30  }
0xc8: {  	s0 =	sor.u32 s4, s0;
	s1 =	sshll.u32 s1, $0x11  }
0xc9: {  	s0 =	sor.u32 s1, s0  }
0xca: {  	s0 =	sadd.s32 $0x8F2B, s0  }
0xcb: {  	[sflag:s0] =	ssyncadd.remote.s32 $0x1  }
0xcc: {  	_ =	sfence.sel $0xFFFF  }
0xcd: {  	[dreg:$0x0] =	wrdreg $0xFFFFFFFF;
	(pc) =	sbr.abs _section_cstart, $3  }
0xce: {  	[dreg:$0x1] =	wrdreg $0xFFFFFFFF  }
0xcf: {  	_ =	task.clear_ibuf [dreg:s22], $0x2FFFF;
	_ =	strace $0x9FFFFFFF  }
0xd0: {  	(tm) =	ssettm $0x7FFFFFFF  }
0xd1: {  	_ =	shalt  }
tec
execute0_lowered:
.L_overlay_start_1:
0x0: {  	(tag) =	ssettag $0x1  }
0x1: {  	s0 =	rddreg [dreg:$0x0];
	s1 =	srdreg.scid;
	s2 =	simm.s32 $0x0  }
0x2: {  	s7 =	stileid.u32;
	s12 =	simm.s32 $0x800;
	s15 =	simm.s32 $0x2000  }
0x3: {  	s16 =	simm.s32 $0x4800;
	s17 =	simm.s32 $0x5000;
	s18 =	simm.s32 $0x5800  }
0x4: {  	s19 =	simm.s32 $0x6000;
	s20 =	simm.s32 $0x2800;
	s21 =	simm.s32 $0x3000  }
0x5: {  	s22 =	simm.s32 $0x3800;
	s23 =	simm.s32 $0x4000;
	s24 =	simm.s32 $0x6800  }
0x6: {  	s28 =	simm.s32 $0x8000;
	s29 =	simm.s32 $0x1;
	s30 =	simm.s32 $0x3  }
0x7: {  	s31 =	simm.s32 $0x2;
	s11 =	simm.s32 $0x7;
	s1 =	sand.u32 $0x1, s1  }
0x8: {  	[smem:$0x7FF] =	sst s2;
	s4 =	sshll.u32 s7, $0xB;
	s3 =	sadd.s32 $0x89C00, s0  }
0x9: {  	s7 =	sshll.u32 s7, $0x10;
	s5 =	sshll.u32 s1, $0xA;
	_ =	strace $0x8000004D  }
0xa: {  	s6 =	ssub.s32 $0x2, s1;
	s1 =	sshll.u32 s1, $0xF;
	s5 =	sor.u32 s5, s4  }
0xb: {  	s4 =	sadd.s32 $0x99C00, s0;
	s8 =	sshrl.u32 s6, $0x1;
	s5 =	sshrl.u32 s5, $0x3  }
0xc: {  	s6 =	ssub.s32 s6, s8;
	s5 =	sadd.s32 s5, s0;
	s0 =	sadd.s32 s7, s0  }
.Ltmp0:
0xd: {  	s26 =	smax.u32 s6, $0x1;
	s7 =	simm.s32 $0x0;
	(pc) =	sbr.rel .LBB2_1-.Ltmp0, $4  }
0xe: {  	s25 =	sadd.s32 $0x5C00, s5;
	s5 =	sadd.s32 $0x4C00, s5;
	[dreg:$0x4] =	wrdreg s26  }
0xf: {  	v2 =	vlaneseq.u32;
	s0 =	sadd.s32 s1, s0;
	s26 =	simm.s32 $0x7800;
	[dreg:$0x2] =	wrdreg s25  }
0x10: {  	vm0 =	vmmov $0xffff;
	v1 =	vshrl.u32 v2, $0x3;
	s1 =	simm.s32 $0x5;
	[dreg:$0x3] =	wrdreg s5;
	s8 =	sadd.s32 $0x1A9C00, s0  }
0x11: {  	v0 =	vand.u32 $0x7, v2;
	v2 =	vor.u32 $0x8, v2;
	v1 =	vmul.u32 $0x8, v1;
	s9 =	sadd.s32 $0xA9C00, s0;
	s25 =	simm.s32 $0x7000;
	s0 =	simm.s32 $0x4  }
.LBB2_5:
0x12: {  	_ =	swait.ge [sflag:s1], $0x2000  }
0x13: {  	[sflag:s1] =	ssyncset.done $0x0  }
0x14: {  	[sflag:s1] =	ssyncadd.s32 $0xFFFFE000  }
0x15: {  	_ =	swait.ge [sflag:s11], $0x2000  }
0x16: {  	[sflag:s11] =	ssyncset.done $0x0  }
0x17: {  	s5 =	simm.s32 $0x6;
	[sflag:s11] =	ssyncadd.s32 $0xFFFFE000  }
0x18: {  	_ =	swait.ge [sflag:s5], $0x2000  }
0x19: {  	[sflag:s5] =	ssyncset.done $0x0  }
0x1a: {  	s6 =	simm.s32 $0x8;
	[sflag:s5] =	ssyncadd.s32 $0xFFFFE000  }
0x1b: {  	_ =	swait.ge [sflag:s6], $0x2000  }
0x1c: {  	s7 =	rddreg [dreg:$0x5]  }
0x1d: {  	s14 =	rddreg [dreg:$0x4];
	s7 =	sadd.s32 $0x1, s7  }
0x1e: {  	p0 =	sne.s32 s7, s14  }
.Ltmp1:
0x1f: {  	_ = 	snop;
	(pc) =	sbr.rel @!p0 .LBB2_6-.Ltmp1, $3  }
0x20: {  	_ =	sdelay $0x1  }
0x21: {  	[sflag:s6] =	ssyncset.done $0x0  }
0x22: {  	[sflag:s6] =	ssyncadd.s32 $0xFFFFE000  }
.LBB2_1:
0x23: {  	[dreg:$0x5] =	wrdreg s7  }
0x24: {  	s5 =	rddreg [dreg:$0x2];
	s6 =	simm.s32 $0x9  }
0x25: {  	[tilespmem:s2], [sflag:$0x9] =	stream.linear.gather [hbm4b:s5+s2], $0x400, $0x38;
	[tilespmem:$0x8800] =	vst v63  }
0x26: {  	_ =	swait.ge [sflag:s6], $0x400  }
0x27: {  	[sflag:s6] =	ssyncset.done $0x0  }
0x28: {  	s10 =	simm.s32 $0x400;
	s7 =	rddreg [dreg:$0x3];
	[sflag:s6] =	ssyncadd.s32 $0xFFFFFC00  }
0x29: {  	[tilespmem:s10], [sflag:$0x9] =	stream.linear.gather [hbm4b:s7+s2], $0x400, $0x38;
	[tilespmem:$0x8800] =	vst v63  }
0x2a: {  	_ =	swait.ge [sflag:s6], $0x400  }
0x2b: {  	[sflag:s6] =	ssyncset.done $0x0  }
0x2c: {  	[sflag:s6] =	ssyncadd.s32 $0xFFFFFC00  }
0x2d: {  	v3 =	vld [tilespmem:$0x0];
	_ =	sdelay $0x4  }
0x2e: {  	v4 =	vshll.u32 v3, $0x1  }
0x2f: {  	v3 =	vand.u32 $0x7, v3;
	v4 =	vand.u32 $0xFFFFFFF0, v4  }
0x30: {  	v3 =	vor.u32 v3, v4  }
0x31: {  	v4 =	vperm.xlane v3, v0;
	_ =	sdelay $0x1  }
0x32: {  	v3 =	vperm.xlane v3, v2;
	v4 =	vadd.s32 v1, v4;
	_ =	sdelay $0x1  }
0x33: {  	v3 =	vadd.s32 v1, v3;
	_ =	sdelay $0x2  }
0x34: {  	[tilespmem:s12], [sflag:$0x1] =	stream.indirect_vreg.gather [hbm4b:s3+s2], $0x80, v4, vm0, $0xb8;
	[tilespmem:$0x8800] =	vst v63  }
0x35: {  	s13 =	simm.s32 $0x1000  }
0x36: {  	[tilespmem:s13], [sflag:$0x1] =	stream.indirect_vreg.gather [hbm4b:s3+s2], $0x80, v3, vm0, $0xb8;
	[tilespmem:$0x8800] =	vst v63  }
0x37: {  	v3 =	vld [tilespmem:$0x10];
	_ =	sdelay $0x4  }
0x38: {  	v61 =	vshll.u32 v3, $0x1  }
0x39: {  	v3 =	vand.u32 $0x7, v3;
	v4 =	vand.u32 $0xFFFFFFF0, v61  }
0x3a: {  	v3 =	vor.u32 v3, v4  }
0x3b: {  	v4 =	vperm.xlane v3, v0;
	_ =	sdelay $0x1  }
0x3c: {  	v3 =	vperm.xlane v3, v2;
	v4 =	vadd.s32 v1, v4;
	_ =	sdelay $0x1  }
0x3d: {  	v3 =	vadd.s32 v1, v3;
	_ =	sdelay $0x1  }
0x3e: {  	s14 =	simm.s32 $0x1800  }
0x3f: {  	[tilespmem:s14], [sflag:$0x1] =	stream.indirect_vreg.gather [hbm4b:s3+s2], $0x80, v4, vm0, $0xb8;
	[tilespmem:$0x8800] =	vst v63  }
0x40: {  	_ = 	snop  }
0x41: {  	[tilespmem:s15], [sflag:$0x1] =	stream.indirect_vreg.gather [hbm4b:s3+s2], $0x80, v3, vm0, $0xb8;
	[tilespmem:$0x8800] =	vst v63  }
0x42: {  	v3 =	vld [tilespmem:$0x400];
	_ =	sdelay $0x4  }
0x43: {  	v62 =	vshll.u32 v3, $0x1  }
0x44: {  	v3 =	vand.u32 $0x7, v3;
	v4 =	vand.u32 $0xFFFFFFF0, v62  }
0x45: {  	v3 =	vor.u32 v3, v4  }
0x46: {  	v4 =	vperm.xlane v3, v0;
	_ =	sdelay $0x1  }
0x47: {  	v3 =	vperm.xlane v3, v2;
	v4 =	vadd.s32 v1, v4;
	_ =	sdelay $0x1  }
0x48: {  	v3 =	vadd.s32 v1, v3;
	_ =	sdelay $0x2  }
0x49: {  	[tilespmem:s16], [sflag:$0x3] =	stream.indirect_vreg.gather [hbm4b:s4+s2], $0x80, v4, vm0, $0xb8;
	[tilespmem:$0x8800] =	vst v63  }
0x4a: {  	_ = 	snop  }
0x4b: {  	[tilespmem:s17], [sflag:$0x3] =	stream.indirect_vreg.gather [hbm4b:s4+s2], $0x80, v3, vm0, $0xb8;
	[tilespmem:$0x8800] =	vst v63  }
0x4c: {  	v3 =	vld [tilespmem:$0x410];
	_ =	sdelay $0x4  }
0x4d: {  	v63 =	vshll.u32 v3, $0x1  }
0x4e: {  	v3 =	vand.u32 $0x7, v3;
	v4 =	vand.u32 $0xFFFFFFF0, v63  }
0x4f: {  	v3 =	vor.u32 v3, v4  }
0x50: {  	v4 =	vperm.xlane v3, v0;
	_ =	sdelay $0x1  }
0x51: {  	v3 =	vperm.xlane v3, v2;
	v4 =	vadd.s32 v1, v4;
	_ =	sdelay $0x1  }
0x52: {  	v3 =	vadd.s32 v1, v3  }
.Ltmp2:
0x53: {  	_ = 	snop;
	(pc) =	sbr.rel .LBB2_2-.Ltmp2, $4  }
0x54: {  	_ = 	snop  }
0x55: {  	[tilespmem:s18], [sflag:$0x3] =	stream.indirect_vreg.gather [hbm4b:s4+s2], $0x80, v4, vm0, $0xb8;
	[tilespmem:$0x8800] =	vst v63  }
0x56: {  	s5 =	simm.s32 $0x50;
	s10 =	simm.s32 $0x0;
	s6 =	simm.s32 $0x450  }
0x57: {  	[tilespmem:s19], [sflag:$0x3] =	stream.indirect_vreg.gather [hbm4b:s4+s2], $0x80, v3, vm0, $0xb8;
	[tilespmem:$0x8800] =	vst v63  }
.LBB2_4:
0x58: {  	_ =	swait.ge [sflag:s31], $0x2000  }
0x59: {  	[sflag:s31] =	ssyncset.done $0x0  }
0x5a: {  	s10 =	sadd.s32 $0x800, s10;
	[sflag:s31] =	ssyncadd.s32 $0xFFFFE000  }
0x5b: {  	p0 =	sne.s32 s10, $0x8000;
	_ =	swait.ge [sflag:s0], $0x2000  }
.Ltmp3:
0x5c: {  	[sflag:s0] =	ssyncset.done $0x0;
	(pc) =	sbr.rel @!p0 .LBB2_5-.Ltmp3, $4  }
0x5d: {  	s7 =	sadd.s32 $0x400, s7;
	[sflag:s0] =	ssyncadd.s32 $0xFFFFE000  }
0x5e: {  	[hbm4b:s7+s2] =	stream.linear.scatter [tilespmem:s20], [sflag:$0x6], $0x2000, $0x38;
	[tilespmem:$0x8800] =	vst v63  }
0x5f: {  	s14 =	sadd.s32 $0x400, s13;
	s5 =	sadd.s32 $0x40, s5;
	s6 =	sadd.s32 $0x40, s6  }
0x60: {  	[hbm4b:s14+s2] =	stream.linear.scatter [tilespmem:s24], [sflag:$0x8], $0x2000, $0x38;
	[tilespmem:$0x8800] =	vst v63  }
.LBB2_2:
0x61: {  	p0 =	seq.s32 s10, $0x0  }
0x62: {  	s7 =	simm.s32 @!p0 $0x6  }
0x63: {  	_ =	swait.ge @!p0 [sflag:s7], $0x2000  }
0x64: {  	[sflag:s7] =	ssyncset.done @!p0 $0x0  }
0x65: {  	[sflag:s7] =	ssyncadd.s32 @!p0 $0xFFFFE000;
	s7 =	simm.s32 @!p0 $0x8  }
0x66: {  	_ =	swait.ge @!p0 [sflag:s7], $0x2000  }
0x67: {  	[sflag:s7] =	ssyncset.done @!p0 $0x0  }
0x68: {  	[sflag:s7] =	ssyncadd.s32 @!p0 $0xFFFFE000  }
0x69: {  	v3 =	vld [tilespmem:s5+$0xFFFFFFD0];
	_ =	sdelay $0x4  }
0x6a: {  	v4 =	vshll.u32 v3, $0x1  }
0x6b: {  	v3 =	vand.u32 $0x7, v3;
	v4 =	vand.u32 $0xFFFFFFF0, v4  }
0x6c: {  	v3 =	vor.u32 v3, v4  }
0x6d: {  	v4 =	vperm.xlane v3, v0;
	_ =	sdelay $0x1  }
0x6e: {  	v3 =	vperm.xlane v3, v2;
	v4 =	vadd.s32 v1, v4;
	_ =	sdelay $0x1  }
0x6f: {  	v3 =	vadd.s32 v1, v3;
	_ =	sdelay $0x2  }
0x70: {  	[tilespmem:s20], [sflag:$0x2] =	stream.indirect_vreg.gather [hbm4b:s3+s2], $0x80, v4, vm0, $0xb8;
	[tilespmem:$0x8800] =	vst v63  }
0x71: {  	_ = 	snop  }
0x72: {  	[tilespmem:s21], [sflag:$0x2] =	stream.indirect_vreg.gather [hbm4b:s3+s2], $0x80, v3, vm0, $0xb8;
	[tilespmem:$0x8800] =	vst v63  }
0x73: {  	v3 =	vld [tilespmem:s5+$0xFFFFFFE0];
	_ =	sdelay $0x4  }
0x74: {  	v61 =	vshll.u32 v3, $0x1  }
0x75: {  	v3 =	vand.u32 $0x7, v3;
	v4 =	vand.u32 $0xFFFFFFF0, v61  }
0x76: {  	v3 =	vor.u32 v3, v4  }
0x77: {  	v4 =	vperm.xlane v3, v0;
	_ =	sdelay $0x1  }
0x78: {  	v3 =	vperm.xlane v3, v2;
	v4 =	vadd.s32 v1, v4;
	_ =	sdelay $0x1  }
0x79: {  	v3 =	vadd.s32 v1, v3;
	_ =	sdelay $0x2  }
0x7a: {  	[tilespmem:s22], [sflag:$0x2] =	stream.indirect_vreg.gather [hbm4b:s3+s2], $0x80, v4, vm0, $0xb8;
	[tilespmem:$0x8800] =	vst v63  }
0x7b: {  	_ = 	snop  }
0x7c: {  	[tilespmem:s23], [sflag:$0x2] =	stream.indirect_vreg.gather [hbm4b:s3+s2], $0x80, v3, vm0, $0xb8;
	[tilespmem:$0x8800] =	vst v63  }
0x7d: {  	v3 =	vld [tilespmem:s6+$0xFFFFFFD0];
	_ =	sdelay $0x4  }
0x7e: {  	v62 =	vshll.u32 v3, $0x1  }
0x7f: {  	v3 =	vand.u32 $0x7, v3;
	v4 =	vand.u32 $0xFFFFFFF0, v62  }
0x80: {  	v3 =	vor.u32 v3, v4  }
0x81: {  	v4 =	vperm.xlane v3, v0;
	_ =	sdelay $0x1  }
0x82: {  	v3 =	vperm.xlane v3, v2;
	v4 =	vadd.s32 v1, v4;
	_ =	sdelay $0x1  }
0x83: {  	v3 =	vadd.s32 v1, v3;
	_ =	sdelay $0x2  }
0x84: {  	[tilespmem:s24], [sflag:$0x4] =	stream.indirect_vreg.gather [hbm4b:s4+s2], $0x80, v4, vm0, $0xb8;
	[tilespmem:$0x8800] =	vst v63  }
0x85: {  	_ = 	snop  }
0x86: {  	[tilespmem:s25], [sflag:$0x4] =	stream.indirect_vreg.gather [hbm4b:s4+s2], $0x80, v3, vm0, $0xb8;
	[tilespmem:$0x8800] =	vst v63  }
0x87: {  	v3 =	vld [tilespmem:s6+$0xFFFFFFE0];
	_ =	sdelay $0x4  }
0x88: {  	v63 =	vshll.u32 v3, $0x1  }
0x89: {  	v3 =	vand.u32 $0x7, v3;
	v4 =	vand.u32 $0xFFFFFFF0, v63  }
0x8a: {  	v3 =	vor.u32 v3, v4  }
0x8b: {  	v4 =	vperm.xlane v3, v0;
	_ =	sdelay $0x1  }
0x8c: {  	v3 =	vperm.xlane v3, v2;
	v4 =	vadd.s32 v1, v4;
	_ =	sdelay $0x1  }
0x8d: {  	v3 =	vadd.s32 v1, v3;
	_ =	sdelay $0x2  }
0x8e: {  	[tilespmem:s26], [sflag:$0x4] =	stream.indirect_vreg.gather [hbm4b:s4+s2], $0x80, v4, vm0, $0xb8;
	[tilespmem:$0x8800] =	vst v63  }
0x8f: {  	_ = 	snop  }
0x90: {  	[tilespmem:s28], [sflag:$0x4] =	stream.indirect_vreg.gather [hbm4b:s4+s2], $0x80, v3, vm0, $0xb8;
	[tilespmem:$0x8800] =	vst v63  }
0x91: {  	_ =	swait.ge [sflag:s29], $0x2000  }
0x92: {  	[sflag:s29] =	ssyncset.done $0x0  }
0x93: {  	[sflag:s29] =	ssyncadd.s32 $0xFFFFE000  }
0x94: {  	p0 =	seq.s32 s10, $0x7800;
	_ =	swait.ge [sflag:s30], $0x2000  }
.Ltmp4:
0x95: {  	[sflag:s30] =	ssyncset.done $0x0;
	(pc) =	sbr.rel @p0 .LBB2_4-.Ltmp4, $4  }
0x96: {  	s7 =	sadd.s32 s10, s9;
	[sflag:s30] =	ssyncadd.s32 $0xFFFFE000  }
0x97: {  	[hbm4b:s7+s2] =	stream.linear.scatter [tilespmem:s12], [sflag:$0x5], $0x2000, $0x38;
	[tilespmem:$0x8800] =	vst v63  }
0x98: {  	s13 =	sadd.s32 s10, s8  }
0x99: {  	[hbm4b:s13+s2] =	stream.linear.scatter [tilespmem:s16], [sflag:$0x7], $0x2000, $0x38;
	[tilespmem:$0x8800] =	vst v63  }
0x9a: {  	_ =	swait.ge [sflag:s1], $0x2000  }
0x9b: {  	[sflag:s1] =	ssyncset.done $0x0  }
0x9c: {  	[sflag:s1] =	ssyncadd.s32 $0xFFFFE000  }
0x9d: {  	_ =	swait.ge [sflag:s11], $0x2000  }
0x9e: {  	[sflag:s11] =	ssyncset.done $0x0  }
0x9f: {  	[sflag:s11] =	ssyncadd.s32 $0xFFFFE000  }
0xa0: {  	v3 =	vld [tilespmem:s5+$0xFFFFFFF0];
	_ =	sdelay $0x4  }
0xa1: {  	v4 =	vshll.u32 v3, $0x1  }
0xa2: {  	v3 =	vand.u32 $0x7, v3;
	v4 =	vand.u32 $0xFFFFFFF0, v4  }
0xa3: {  	v3 =	vor.u32 v3, v4  }
0xa4: {  	v4 =	vperm.xlane v3, v0;
	_ =	sdelay $0x1  }
0xa5: {  	v3 =	vperm.xlane v3, v2;
	v4 =	vadd.s32 v1, v4;
	_ =	sdelay $0x1  }
0xa6: {  	v3 =	vadd.s32 v1, v3;
	_ =	sdelay $0x2  }
0xa7: {  	[tilespmem:s12], [sflag:$0x1] =	stream.indirect_vreg.gather [hbm4b:s3+s2], $0x80, v4, vm0, $0xb8;
	[tilespmem:$0x8800] =	vst v63  }
0xa8: {  	s14 =	simm.s32 $0x1000  }
0xa9: {  	[tilespmem:s14], [sflag:$0x1] =	stream.indirect_vreg.gather [hbm4b:s3+s2], $0x80, v3, vm0, $0xb8;
	[tilespmem:$0x8800] =	vst v63  }
0xaa: {  	v3 =	vld [tilespmem:s5+$0x0];
	_ =	sdelay $0x4  }
0xab: {  	v61 =	vshll.u32 v3, $0x1  }
0xac: {  	v3 =	vand.u32 $0x7, v3;
	v4 =	vand.u32 $0xFFFFFFF0, v61  }
0xad: {  	v3 =	vor.u32 v3, v4  }
0xae: {  	v4 =	vperm.xlane v3, v0;
	_ =	sdelay $0x1  }
0xaf: {  	v3 =	vperm.xlane v3, v2;
	v4 =	vadd.s32 v1, v4;
	_ =	sdelay $0x1  }
0xb0: {  	v3 =	vadd.s32 v1, v3;
	_ =	sdelay $0x1  }
0xb1: {  	s14 =	simm.s32 $0x1800  }
0xb2: {  	[tilespmem:s14], [sflag:$0x1] =	stream.indirect_vreg.gather [hbm4b:s3+s2], $0x80, v4, vm0, $0xb8;
	[tilespmem:$0x8800] =	vst v63  }
0xb3: {  	_ = 	snop  }
0xb4: {  	[tilespmem:s15], [sflag:$0x1] =	stream.indirect_vreg.gather [hbm4b:s3+s2], $0x80, v3, vm0, $0xb8;
	[tilespmem:$0x8800] =	vst v63  }
0xb5: {  	v3 =	vld [tilespmem:s6+$0xFFFFFFF0];
	_ =	sdelay $0x4  }
0xb6: {  	v62 =	vshll.u32 v3, $0x1  }
0xb7: {  	v3 =	vand.u32 $0x7, v3;
	v4 =	vand.u32 $0xFFFFFFF0, v62  }
0xb8: {  	v3 =	vor.u32 v3, v4  }
0xb9: {  	v4 =	vperm.xlane v3, v0;
	_ =	sdelay $0x1  }
0xba: {  	v3 =	vperm.xlane v3, v2;
	v4 =	vadd.s32 v1, v4;
	_ =	sdelay $0x1  }
0xbb: {  	v3 =	vadd.s32 v1, v3;
	_ =	sdelay $0x2  }
0xbc: {  	[tilespmem:s16], [sflag:$0x3] =	stream.indirect_vreg.gather [hbm4b:s4+s2], $0x80, v4, vm0, $0xb8;
	[tilespmem:$0x8800] =	vst v63  }
0xbd: {  	_ = 	snop  }
0xbe: {  	[tilespmem:s17], [sflag:$0x3] =	stream.indirect_vreg.gather [hbm4b:s4+s2], $0x80, v3, vm0, $0xb8;
	[tilespmem:$0x8800] =	vst v63  }
0xbf: {  	v3 =	vld [tilespmem:s6+$0x0];
	_ =	sdelay $0x4  }
0xc0: {  	v63 =	vshll.u32 v3, $0x1  }
0xc1: {  	v3 =	vand.u32 $0x7, v3;
	v4 =	vand.u32 $0xFFFFFFF0, v63  }
0xc2: {  	v3 =	vor.u32 v3, v4  }
0xc3: {  	v4 =	vperm.xlane v3, v0;
	_ =	sdelay $0x1  }
0xc4: {  	v3 =	vperm.xlane v3, v2;
	v4 =	vadd.s32 v1, v4;
	_ =	sdelay $0x1  }
0xc5: {  	v3 =	vadd.s32 v1, v3  }
.Ltmp5:
0xc6: {  	_ = 	snop;
	(pc) =	sbr.rel .LBB2_4-.Ltmp5, $4  }
0xc7: {  	_ = 	snop  }
0xc8: {  	[tilespmem:s18], [sflag:$0x3] =	stream.indirect_vreg.gather [hbm4b:s4+s2], $0x80, v4, vm0, $0xb8;
	[tilespmem:$0x8800] =	vst v63  }
0xc9: {  	_ = 	snop  }
0xca: {  	[tilespmem:s19], [sflag:$0x3] =	stream.indirect_vreg.gather [hbm4b:s4+s2], $0x80, v3, vm0, $0xb8;
	[tilespmem:$0x8800] =	vst v63  }
.LBB2_6:
0xcb: {  	_ =	sfence.sel $0x180000  }
0xcc: {  	[bflag:$0x0] =	sbarrier.arrive $0xFFFF  }
0xcd: {  	_ =	strace $0x9000004D  }
0xce: {  	s0 =	stileid.u32;
	[bflag:$0x2] =	sbarrier.arrive $0xFFFF  }
0xcf: {  	p0 =	sne.s32 s0, $0x0;
	s0 =	rddreg [dreg:$0x1]  }
0xd0: {  	s0 =	sadd.s32 @!p0 $0x100000, s0  }
0xd1: {  	[sflag:s0] =	ssyncadd.tile.s32 @!p0 $0x1;
	_ =	shalt  }
.Lfunc_end2:
_tile_overlayer_lowered:
.L_overlay_start_2:
0xd2: {  	(tag) =	ssettag $0x2  }
0xd3: {  	s0 =	rddreg [dreg:$0x0];
	s2 =	stileid.u32  }
0xd4: {  	s1 =	rddreg [dreg:$0x1];
	p0 =	sne.s32 s2, $0x0  }
0xd5: {  	s3 =	rddreg [dreg:$0x2];
	[bflag:$0x3] =	sbarrier.arrive $0xFFFF;
	s2 =	simm.s32 @!p0 $0x1C09  }
0xd6: {  	[timem:s3], [sflag:s2] =	dma.local @!p0 [hbm:s0], s1  }
0xd7: {  	s0 =	simm.s32 @!p0 $0x9  }
0xd8: {  	_ =	swait.ge @!p0 [sflag:s0], s1  }
0xd9: {  	s1 =	ssub.s32 @!p0 $0x0, s1;
	[sflag:s0] =	ssyncset.done @!p0 $0x0  }
0xda: {  	[sflag:s0] =	ssyncadd.s32 @!p0 s1  }
0xdb: {  	[bflag:$0x3] =	sbarrier.arrive $0xFFFF  }
0xdc: {  	_ =	shalt  }

// kernel: scatter_offload_async_start
scs
__scs_entry_jumppad:
0x0: {  	(pc) =	sbr.rel $0x88, $3  }
0x1: {  	(tag) =	ssettag $0x0;
	lr =	simm.s32 $0x1  }
0x2: {  	[smem:$0x3F8E] =	sst lr;
	_ =	strace $0xD0000000  }
0x3: {  	_ = 	snop  }
0x4: {  	_ = 	snop  }
0x5: {  	_ = 	snop  }
0x6: {  	_ = 	snop  }
0x7: {  	_ = 	snop  }
__scs_overlays_trampoline_lowered:
0x8: {  	[smem:$0x3F9D] =	sst s0  }
0x9: {  	[smem:$0x3F9E] =	sst s1  }
0xa: {  	[smem:$0x3F9F] =	sst s2  }
0xb: {  	[smem:$0x3FA0] =	sst s3  }
0xc: {  	[smem:$0x3FA1] =	sst s4  }
0xd: {  	[smem:$0x3FA2] =	sst s5  }
0xe: {  	[smem:$0x3FA3] =	sst s6  }
0xf: {  	[smem:$0x3FA4] =	sst s7  }
0x10: {  	[smem:$0x3FA5] =	sst s8  }
0x11: {  	[smem:$0x3FA6] =	sst s9;
	s0 =	simm.s32 @!p0 $0x0  }
0x12: {  	s1 =	sld [smem:$0x3F8C];
	s0 =	simm.s32 @p0 $0x1  }
0x13: {  	[smem:$0x3FA7] =	sst s0;
	s0 =	simm.s32 @!p1 $0x0  }
0x14: {  	s2 =	sld [smem:$0x3F8B];
	s0 =	simm.s32 @p1 $0x1  }
0x15: {  	[smem:$0x3FA8] =	sst s0;
	s0 =	simm.s32 @!p2 $0x0  }
0x16: {  	s3 =	sld [smem:$0x3FDB];
	s0 =	simm.s32 @p2 $0x1  }
0x17: {  	s4 =	simm.s32 $0x1BF5;
	[smem:$0x3FAA] =	sst s0  }
0x18: {  	s0 =	sld [smem:$0x3F8D];
	_ =	swait.ge [sflag:s4], $0x0  }
0x19: {  	s7 =	sld [smem:$0x3F8E]  }
0x1a: {  	s8 =	sadd.s32 $0xFFFFE003, lr  }
0x1b: {  	s9 =	sadd.s32 $0xFFFFFEF7, lr;
	s5 =	simm.s32 $0xFFFFFFFF;
	p2 =	slt.u32 s8, $0xFFFFF086  }
0x1c: {  	p1 =	slt.u32 s9, $0xF7A;
	s5 =	simm.s32 @!p2 $0x0  }
0x1d: {  	s5 =	simm.s32 @p1 $0x1;
	p0 =	seq.s32 s7, s2  }
0x1e: {  	s7 =	smul.u32 @!p0 $0xF7A, s2;
	p2 =	seq.s32 @!p0 s5, $0x0  }
0x1f: {  	s9 =	smul.u32 $0xF7A, s1;
	s8 =	simm.s32 @!p0 $0x1BF5;
	p2 =	por !p2, p0  }
0x20: {  	[sflag:s8] =	ssyncset.s32 @!p0 $0xFFFFF086;
	s6 =	sadd.s32 @!p0 s3, s7;
	s7 =	simm.s32 @!p0 $0x108  }
0x21: {  	s3 =	sadd.s32 s3, s9;
	s6 =	sadd.s32 @!p0 $0x88, s6;
	s7 =	simm.s32 @p2 $0x1082  }
0x22: {  	[simem:s7], [sflag:s8] =	dma.local @!p0 [hbm:s6], $0xF7A  }
0x23: {  	s9 =	sor.u32 $0xD0000000, s2;
	s6 =	simm.s32 $0x108;
	_ =	swait.ge @!p0 [sflag:s8], $0x0  }
0x24: {  	s3 =	sadd.s32 $0x88, s3;
	s6 =	simm.s32 @!p1 $0x1082;
	[sflag:s4] =	ssyncset.s32 $0xFFFFF086  }
0x25: {  	[simem:s6], [sflag:s4] =	dma.local [hbm:s3], $0xF7A  }
0x26: {  	[smem:$0x3F8E] =	sst s1;
	(tag) =	ssettag s2;
	_ =	strace s9  }
0x27: {  	s1 =	sld [smem:$0x3F9E]  }
0x28: {  	s2 =	sld [smem:$0x3F9F]  }
0x29: {  	s4 =	sld [smem:$0x3FA1]  }
0x2a: {  	p0 =	seq.s32 s5, $0x0;
	s5 =	sld [smem:$0x3FA2]  }
0x2b: {  	s6 =	sld [smem:$0x3FA3]  }
0x2c: {  	s7 =	sld [smem:$0x3FA4]  }
0x2d: {  	s3 =	simm.s32 $0x108;
	s8 =	sld [smem:$0x3FA5]  }
0x2e: {  	s3 =	simm.s32 @!p0 $0x1082;
	s9 =	sld [smem:$0x3FA6]  }
0x2f: {  	lr =	sadd.s32 s0, s3;
	s0 =	sld [smem:$0x3F9D]  }
0x30: {  	s3 =	sld [smem:$0x3FA0]  }
0x31: {  	[smem:$0x3FA9] =	sst s10  }
0x32: {  	s10 =	sld [smem:$0x3FA7];
	_ =	sdelay $0x3  }
0x33: {  	p0 =	seq.s32 s10, $0x1;
	s10 =	sld [smem:$0x3FA9];
	_ =	sdelay $0x3  }
0x34: {  	[smem:$0x3FA9] =	sst s10  }
0x35: {  	s10 =	sld [smem:$0x3FA8];
	_ =	sdelay $0x3  }
0x36: {  	p1 =	seq.s32 s10, $0x1;
	s10 =	sld [smem:$0x3FA9];
	_ =	sdelay $0x3  }
0x37: {  	[smem:$0x3FA9] =	sst s10  }
0x38: {  	s10 =	sld [smem:$0x3FAA]  }
0x39: {  	_ = 	snop;
	(pc) =	sbr.ind lr, $3  }
0x3a: {  	_ = 	snop  }
0x3b: {  	_ = 	snop  }
0x3c: {  	p2 =	seq.s32 s10, $0x1;
	s10 =	sld [smem:$0x3FA9]  }
0x3d: {  	_ =	shalt  }
0x3e: {  	_ =	shalt  }
0x3f: {  	_ =	shalt  }
0x40: {  	_ =	shalt  }
0x41: {  	_ =	shalt  }
0x42: {  	_ =	shalt  }
0x43: {  	_ =	shalt  }
0x44: {  	_ =	shalt  }
0x45: {  	_ =	shalt  }
0x46: {  	_ =	shalt  }
0x47: {  	_ =	shalt  }
0x48: {  	_ =	shalt  }
0x49: {  	_ =	shalt  }
0x4a: {  	_ =	shalt  }
0x4b: {  	_ =	shalt  }
0x4c: {  	_ =	shalt  }
0x4d: {  	_ =	shalt  }
0x4e: {  	_ =	shalt  }
0x4f: {  	_ =	shalt  }
0x50: {  	_ =	shalt  }
0x51: {  	_ =	shalt  }
0x52: {  	_ =	shalt  }
0x53: {  	_ =	shalt  }
0x54: {  	_ =	shalt  }
0x55: {  	_ =	shalt  }
0x56: {  	_ =	shalt  }
0x57: {  	_ =	shalt  }
0x58: {  	_ =	shalt  }
0x59: {  	_ =	shalt  }
0x5a: {  	_ =	shalt  }
0x5b: {  	_ =	shalt  }
0x5c: {  	_ =	shalt  }
0x5d: {  	_ =	shalt  }
0x5e: {  	_ =	shalt  }
0x5f: {  	_ =	shalt  }
0x60: {  	_ =	shalt  }
0x61: {  	_ =	shalt  }
0x62: {  	_ =	shalt  }
0x63: {  	_ =	shalt  }
0x64: {  	_ =	shalt  }
0x65: {  	_ =	shalt  }
0x66: {  	_ =	shalt  }
0x67: {  	_ =	shalt  }
0x68: {  	_ =	shalt  }
0x69: {  	_ =	shalt  }
0x6a: {  	_ =	shalt  }
0x6b: {  	_ =	shalt  }
0x6c: {  	_ =	shalt  }
0x6d: {  	_ =	shalt  }
0x6e: {  	_ =	shalt  }
0x6f: {  	_ =	shalt  }
0x70: {  	_ =	shalt  }
0x71: {  	_ =	shalt  }
0x72: {  	_ =	shalt  }
0x73: {  	_ =	shalt  }
0x74: {  	_ =	shalt  }
0x75: {  	_ =	shalt  }
0x76: {  	_ =	shalt  }
0x77: {  	_ =	shalt  }
0x78: {  	_ =	shalt  }
0x79: {  	_ =	shalt  }
0x7a: {  	_ =	shalt  }
0x7b: {  	_ =	shalt  }
0x7c: {  	_ =	shalt  }
0x7d: {  	_ =	shalt  }
0x7e: {  	_ =	shalt  }
0x7f: {  	_ =	shalt  }
0x80: {  	_ =	shalt  }
0x81: {  	_ =	shalt  }
0x82: {  	_ =	shalt  }
0x83: {  	_ =	shalt  }
0x84: {  	_ =	shalt  }
0x85: {  	_ =	shalt  }
0x86: {  	_ =	shalt  }
0x87: {  	_ =	shalt  }
.Lfunc_end0:
.L_simem_size_0:
called_computation_lowered:
.L_overlay_start_0:
0x88: {  	s0 =	sld [smem:$0x3FD9]  }
0x89: {  	s1 =	sld [smem:$0x3FFE];
	_ =	sdelay $0x3  }
0x8a: {  	s0 =	sadd.s32 s1, s0  }
0x8b: {  	[smem:$0x3FB5] =	sst s0  }
0x8c: {  	_ = 	snop  }
0x8d: {  	(tm) =	ssettm $0x1  }
0x8e: {  	s15 =	sld [smem:$0x3FFB];
	_ =	sdelay $0x3  }
0x8f: {  	_ =	strace s15  }
0x90: {  	s0 =	sld [smem:$0x3FFC];
	_ =	sdelay $0x3  }
0x91: {  	_ =	strace s0  }
0x92: {  	s0 =	sld [smem:$0x3FFD];
	_ =	sdelay $0x3  }
0x93: {  	_ =	strace s0  }
0x94: {  	_ =	strace $0x8FFFFFFF  }
0x95: {  	s16 =	sld [smem:$0x3FDB];
	_ =	sdelay $0x1  }
0x96: {  	s17 =	simm.s32 $_scs_section_size  }
0x97: {  	s2 =	simm.s32 $_size__tile_overlayer_lowered;
	s3 =	simm.s32 $_tile_overlayer_lowered  }
0x98: {  	s20 =	simm.s32 $0x1BFF;
	s19 =	sshll.u32 s3, $0x1;
	s0 =	sadd.s32 s17, s16  }
0x99: {  	s4 =	simm.s32 $0x0;
	s18 =	sshll.u32 s2, $0x1;
	s2 =	sadd.s32 s19, s0  }
0x9a: {  	[timem:s4], [sflag:s20] =	dma.local [hbm:s2], s18  }
0x9b: {  	_ =	swait.ge [sflag:s20], s18  }
0x9c: {  	s1 =	ssub.s32 $0x0, s18;
	[sflag:s20] =	ssyncset.done $0x0  }
0x9d: {  	[sflag:s20] =	ssyncadd.s32 s1;
	_ =	sdelay $0x1  }
0x9e: {  	s21 =	simm.s32 $0x1B8B  }
0x9f: {  	_ =	swait.ge [sflag:s21], $0x1  }
0xa0: {  	[sflag:s21] =	ssyncset.done $0x0  }
0xa1: {  	s23 =	simm.s32 $0x1B8E;
	s22 =	sld [smem:$0x3FFE];
	[sflag:s21] =	ssyncadd.s32 $0xFFFFFFFF  }
0xa2: {  	s24 =	simm.s32 $execute0_lowered;
	[smem:$0x3FD2] =	sst s23  }
0xa3: {  	s2 =	sshll.u32 s24, $0x1;
	_ =	strace $0x80000046;
	[dreg:$0x1] =	wrdreg $0xFFFFFFFF  }
0xa4: {  	s25 =	simm.s32 $_size_execute0_lowered;
	s0 =	sadd.s32 s0, s2;
	[dreg:$0x0] =	wrdreg $0x0  }
0xa5: {  	s2 =	sshll.u32 s25, $0x1;
	[dreg:$0x2] =	wrdreg s0  }
0xa6: {  	[dreg:$0x3] =	wrdreg s2  }
0xa7: {  	[dreg:$0x4] =	wrdreg $0xC0  }
0xa8: {  	_ =	task [dreg:s4], $0x5FFFF  }
0xa9: {  	[dreg:$0x1] =	wrdreg $0xFFFFFFFF  }
0xaa: {  	[dreg:$0x0] =	wrdreg $0x60  }
0xab: {  	[dreg:$0x2] =	wrdreg s22  }
0xac: {  	[dreg:$0x3] =	wrdreg $0x9  }
0xad: {  	_ =	task.clear_ibuf [dreg:s4], $0x4FFFF;
	_ =	strace $0x90000046  }
0xae: {  	s26 =	simm.s32 $0x9;
	_ =	strace $0x80000048  }
0xaf: {  	_ =	swait.ge [sflag:s26], $0x1  }
0xb0: {  	[sflag:s26] =	ssyncadd.s32 $0xFFFFFFFF  }
0xb1: {  	_ =	strace $0x90000048  }
0xb2: {  	_ =	sfence  }
0xb3: {  	s28 =	sld [smem:$0x0];
	_ =	sdelay $0x1  }
0xb4: {  	s29 =	srdreg.scid  }
0xb5: {  	s30 =	sshll.u32 s29, $0xD;
	s31 =	sshrl.u32 s29, $0x2  }
0xb6: {  	s1 =	sand.u32 $0x1, s29;
	s2 =	sand.u32 $0x4000, s30;
	s0 =	sadd.s32 s31, s28  }
0xb7: {  	s1 =	sor.u32 s2, s1;
	s0 =	sshll.u32 s0, $0x11  }
0xb8: {  	s0 =	sor.u32 s0, s1  }
0xb9: {  	s0 =	sadd.s32 $0x8F2B, s0  }
0xba: {  	[sflag:s0] =	ssyncadd.remote.s32 $0x1  }
0xbb: {  	_ =	sfence.sel $0xFFFF  }
0xbc: {  	[dreg:$0x0] =	wrdreg $0xFFFFFFFF;
	(pc) =	sbr.abs _section_cstart, $3  }
0xbd: {  	[dreg:$0x1] =	wrdreg $0xFFFFFFFF  }
0xbe: {  	_ =	task.clear_ibuf [dreg:s4], $0x2FFFF;
	_ =	strace $0x9FFFFFFF  }
0xbf: {  	(tm) =	ssettm $0x7FFFFFFF  }
tec
execute0_lowered:
.L_overlay_start_1:
0x0: {  	(tag) =	ssettag $0x1  }
0x1: {  	s0 =	rddreg [dreg:$0x0];
	_ =	strace $0x80000047;
	s3 =	simm.s32 $0x1  }
0x2: {  	v1 =	vimm.s32 $0xFFFFFFFF;
	[sflag:s3] =	ssyncpa.u1 $0x0  }
0x3: {  	[tilespmem:$0x10] =	vst v1  }
0x4: {  	v0 =	vimm.s32 $0x80000000;
	[tilespmem:$0x20] =	vst v1  }
0x5: {  	[tilespmem:$0x30] =	vst v0  }
0x6: {  	s2 =	simm.s32 $0x2;
	s6 =	simm.s32 $0x7;
	[tilespmem:$0x40] =	vst v0  }
0x7: {  	s26 =	stileid.u32;
	s7 =	simm.s32 $0x8;
	s31 =	simm.s32 $0x9;
	[tilespmem:$0x50] =	vst v0  }
0x8: {  	s14 =	simm.s32 $0x0;
	s15 =	simm.s32 $0x100;
	s19 =	simm.s32 $0x4900;
	[tilespmem:$0x60] =	vst v1  }
0x9: {  	s20 =	simm.s32 $0xF;
	s21 =	simm.s32 $0x50;
	s22 =	simm.s32 $0x20FF;
	[tilespmem:$0x70] =	vst v1  }
0xa: {  	s23 =	simm.s32 $0x20;
	s24 =	simm.s32 $0x30;
	s25 =	simm.s32 $0x40FF;
	[tilespmem:$0x80] =	vst v1  }
0xb: {  	s30 =	simm.s32 $0x0;
	s29 =	simm.s32 $0x0;
	s1 =	sadd.s32 $0x9C00, s0;
	v1 =	vimm.s32 $0x0;
	[tilespmem:$0xB0] =	vst v0  }
.Ltmp0:
0xc: {  	s4 =	sadd.s32 $0x7C00, s0;
	s5 =	sadd.s32 $0x8C00, s0;
	[tilespmem:$0x90] =	vst v1;
	(pc) =	sbr.rel .LBB2_1-.Ltmp0, $4  }
0xd: {  	s8 =	sshll.u32 s26, $0xB;
	s10 =	sshll.u32 s26, $0x1;
	[tilespmem:$0xA0] =	vst v1;
	[sflag:s2] =	ssyncpa.u1 $0x0  }
0xe: {  	s12 =	sshllo.u32 s26, $0x1;
	s26 =	simm.s32 $0x80;
	[sflag:s6] =	ssyncpa.u1 $0x0  }
0xf: {  	vm0 =	vmmov $0xffff;
	v2 =	vlaneseq.u32;
	s9 =	sadd.s32 $0x800, s8;
	s11 =	sor.u32 $0x81, s10;
	[sflag:s7] =	ssyncpa.u1 $0x0  }
0x10: {  	vm1 =	vmxor vm1, vm1;
	vm2 =	vmmov $0x1;
	vm3 =	vcmask $0x3F3C;
	s13 =	sor.u32 $0x80, s10;
	s28 =	smov.u32 s8;
	[sflag:s31] =	ssyncpa.u1 $0x0  }
.LBB2_3:
0x11: {  	s0 =	sshrl.u32 s28, $0x3  }
0x12: {  	s2 =	sand.u32 $0x7, s28;
	s0 =	sadd.s32 s4, s0  }
0x13: {  	[tilespmem:s15], [sflag:$0x7] =	stream.linear.gather [hbm4b:s0+s2], $0x800, $0x38;
	[tilespmem:$0x4920] =	vst v63  }
.LBB2_4:
0x14: {  	s0 =	sadd.s32 $0x800, s28  }
0x15: {  	s2 =	smov.u32 s8;
	s29 =	sadd.s32 $0x1, s29;
	p0 =	slt.s32 s0, s9  }
0x16: {  	s2 =	smov.u32 @p0 s0;
	p0 =	sne.s32 s29, $0x4  }
.Ltmp1:
0x17: {  	_ = 	snop;
	(pc) =	sbr.rel @!p0 .LBB2_13-.Ltmp1, $2  }
0x18: {  	_ =	sdelay $0x2  }
0x19: {  	s30 =	smov.u32 s28;
	s28 =	smov.u32 s2  }
.LBB2_1:
0x1a: {  	p0 =	sgt.s32 s29, $0x1  }
.Ltmp2:
0x1b: {  	_ = 	snop;
	(pc) =	sbr.rel @p0 .LBB2_11-.Ltmp2, $1  }
0x1c: {  	_ =	sdelay $0x3  }
0x1d: {  	p0 =	seq.s32 s29, $0x0  }
.Ltmp3:
0x1e: {  	_ = 	snop;
	(pc) =	sbr.rel @p0 .LBB2_3-.Ltmp3, $1  }
0x1f: {  	_ =	sdelay $0x3  }
0x20: {  	_ =	swait.ge [sflag:s6], $0x800  }
0x21: {  	[sflag:s6] =	ssyncset.done $0x0  }
0x22: {  	[sflag:s6] =	ssyncadd.s32 $0xFFFFF800;
	(ifvalue) =	ssetifvalue $0xFFFFFFFF;
	v3 =	vld.msk [tilespmem:s15+$0x0 ss:$0x1], $0xffff;
	_ =	sdelay $0x4  }
0x23: {  	v4 =	vperm.xlane v3, v1  }
0x24: {  	vm4 =	vlt.u32 v3, $0x400000  }
0x25: {  	v3 =	vnsel vm4, $0xFFFFFFFE, v3;
	vm4 =	vlt.u32 v4, $0x400000  }
0x26: {  	[tilespmem:$0x70] =	vst v3;
	v3 =	vnsel vm4, $0xFFFFFFFE, v4  }
0x27: {  	s17 =	simm.s32 $0x8F0;
	[tilespmem:$0x80] =	vst v3  }
0x28: {  	v3 =	vld.msk [tilespmem:s17+$0x0 ss:$0x1], $0xffff;
	_ =	sdelay $0x4  }
0x29: {  	(xrf1) =	vunique.msk.u32 $0xffff, v3;
	_ =	sdelay $0xd  }
0x2a: {  	v4 =	vimm.s32 $0xFFFFFFFF;
	v5, _, _ =	vpop (xrf1)  }
0x2b: {  	vm5 =	vne.s32 v3, v4;
	vm4 =	veq.s32 v5, v2  }
0x2c: {  	vm6 =	vlt.u32 v3, $0x400000;
	vm4 =	vmand vm5, vm4  }
0x2d: {  	vm4 =	vmand vm6, vm4  }
0x2e: {  	v4 =	vnsel vm4, $0xFFFFFFFF, v3;
	_ =	sdelay $0x3  }
0x2f: {  	s0 =	simm.s32 $0x20F0;
	(ifvalue) =	ssetifvalue $0xFFFFFFFF  }
0x30: {  	v3 =	vperm.xlane v3, v1;
	[tilespmem:s0], [sflag:$0x8] =	stream.indirect_vreg.gather [hbm4b:s1+s14], $0x1, v4, vm0, $0x4038;
	v4 =	vnsel vm6, $0xFFFFFFFE, v4;
	[tilespmem:$0x4920] =	vst v63  }
0x31: {  	s2 =	simm.s32 $0x0;
	s16 =	simm.s32 $0x8E0;
	[tilespmem:s17+$0x0] =	vst v4  }
.LBB2_6:
0x32: {  	v4 =	vld.msk [tilespmem:s16+$0x0 ss:$0x1], $0xffff;
	s2 =	sadd.s32 $0x10, s2;
	v5 =	vmov v3;
	s17 =	smov.u32 s16  }
0x33: {  	p0 =	slt.u32 s2, $0x7F0;
	_ =	sdelay $0x4  }
0x34: {  	v3 =	vperm.xlane v4, v1;
	(xrf1) =	vunique.msk.u32 $0xffff, v4;
	_ =	sdelay $0xd  }
0x35: {  	v6, _, _ =	vpop (xrf1)  }
0x36: {  	vm5 =	vne.s32 v4, v5;
	vm4 =	veq.s32 v6, v2  }
0x37: {  	vm6 =	vlt.u32 v4, $0x400000;
	vm4 =	vmand vm5, vm4  }
0x38: {  	vm4 =	vmand vm6, vm4  }
0x39: {  	v4 =	vnsel vm4, $0xFFFFFFFF, v4  }
.Ltmp4:
0x3a: {  	v5 =	vnsel vm6, $0xFFFFFFFE, v4;
	(pc) =	sbr.rel @p0 .LBB2_6-.Ltmp4, $3  }
0x3b: {  	_ =	sdelay $0x1  }
0x3c: {  	s16 =	sadd.s32 $0xFFFFFFF0, s16;
	s0 =	sadd.s32 $0xFFFFFFF0, s0;
	(ifvalue) =	ssetifvalue $0xFFFFFFFF  }
0x3d: {  	[tilespmem:s0], [sflag:$0x8] =	stream.indirect_vreg.gather [hbm4b:s1+s14], $0x1, v4, vm0, $0x4038;
	[tilespmem:s17+$0x0] =	vst v5  }
.Ltmp5:
0x3e: {  	(pc) =	sbr.rel .LBB2_4-.Ltmp5, $4  }
0x3f: {  	_ = 	snop  }
0x40: {  	s0 =	sshrl.u32 s30, $0x3  }
0x41: {  	s2 =	simm.s32 $0x2900;
	s0 =	sadd.s32 s5, s0  }
0x42: {  	[tilespmem:s2], [sflag:$0x8] =	stream.linear.gather [hbm:s0], $0x800, $0x38;
	[tilespmem:$0x4920] =	vst v63  }
.LBB2_11:
0x43: {  	p0 =	seq.s32 s29, $0x2  }
.Ltmp6:
0x44: {  	_ = 	snop;
	(pc) =	sbr.rel @!p0 .LBB2_12-.Ltmp6, $1  }
0x45: {  	_ =	sdelay $0x3  }
0x46: {  	_ =	swait.ge [sflag:s7], $0x1000  }
0x47: {  	[sflag:s7] =	ssyncset.done $0x0  }
0x48: {  	s0 =	simm.s32 $0x8FF;
	[sflag:s7] =	ssyncadd.s32 $0xFFFFF000  }
0x49: {  	[spmem:s11] =	stream.linear.scatter [tilespmem:s0], [sflag:$0x1], $0x1, $0x38;
	[tilespmem:$0x4920] =	vst v63  }
0x4a: {  	_ =	swait.ge [sflag:s3], $0x1  }
0x4b: {  	[sflag:s3] =	ssyncset.done $0x0  }
0x4c: {  	[sflag:s3] =	ssyncadd.s32 $0xFFFFFFFF  }
0x4d: {  	v4 =	vld [tilespmem:$0x10]  }
0x4e: {  	v5 =	vld [tilespmem:$0x70]  }
0x4f: {  	v3 =	vld [tilespmem:$0x80];
	_ =	sdelay $0x2  }
0x50: {  	(v2sf) =	vpush v4, $0x0  }
0x51: {  	(v2sf) =	vpush v5, $0x0  }
0x52: {  	(v2sf) =	vpush v3, $0x0;
	_ =	sdelay $0xc  }
0x53: {  	s18 =	spop (v2sf)  }
0x54: {  	s2 =	spop (v2sf)  }
0x55: {  	s30 =	spop (v2sf)  }
0x56: {  	p0 =	seq.s32 s18, s2;
	p1 =	seq.s32 s30, s18  }
0x57: {  	p1 =	por p0, p1  }
0x58: {  	s2 =	simm.s32 $0x10;
	v4 =	vpsel p1, $0xFFFFFFFF, v4  }
0x59: {  	[tilespmem:s2+$0x0] =	vst.msk $0x1, v4  }
0x5a: {  	v4 =	vld [tilespmem:$0x30]  }
0x5b: {  	v5 =	vld [tilespmem:$0x2900]  }
0x5c: {  	v6 =	vld [tilespmem:$0x40];
	_ =	sdelay $0x3  }
0x5d: {  	vm4 =	vmmov vm1;
	vm6 =	vmmov vm2;
	vm5 =	vgt.s32 v4, v5  }
0x5e: {  	s16 =	simm.s32 $0x2900;
	vm4 =	vmmov @p0 vm2;
	v5 =	vsel vm5, v4, v5;
	vm5 =	vgt.s32 v4, v6  }
0x5f: {  	vm6 =	vmmov @p1 vm1;
	v4 =	vsel vm5, v4, v6;
	[tilespmem:s16+$0x0] =	vst.msk vm4, v5  }
0x60: {  	[tilespmem:s19+$0x0] =	vst.msk vm6, v4  }
0x61: {  	v4 =	vld [tilespmem:$0x20F0];
	_ =	sdelay $0x4  }
0x62: {  	v4 =	vshift.insert v4, v1, s20;
	_ =	sdelay $0x1  }
0x63: {  	v5 =	vimm.s32 $0x80000000;
	[tilespmem:s21+$0x0] =	vst.msk $0x1, v4  }
0x64: {  	[tilespmem:s22+$0x0] =	vst.msk $0x1, v5  }
0x65: {  	v4 =	vld [tilespmem:$0x8F0];
	_ =	sdelay $0x4  }
0x66: {  	v4 =	vshift.insert v4, v1, s20;
	_ =	sdelay $0x1  }
0x67: {  	[tilespmem:s23+$0x0] =	vst.msk $0x1, v4  }
0x68: {  	v6 =	vld [tilespmem:s16+$0x0]  }
0x69: {  	s17 =	simm.s32 $0x100  }
0x6a: {  	v7 =	vld [tilespmem:s17+$0x0];
	_ =	sdelay $0x2  }
0x6b: {  	vm4 =	vgt.s32 v6, v5  }
0x6c: {  	v5 =	vsel vm4, v6, v5  }
0x6d: {  	vm4 =	vne.s32 v7, $0xFFFFFFFF;
	v5 =	vxor.u32 $0x80000000, v5  }
0x6e: {  	(xrf0) =	vmax.seg.scan.u32 vm4, v5  }
0x6f: {  	s18 =	simm.s32 $0x1900  }
0x70: {  	v8 =	vld [tilespmem:s18+$0x0]  }
0x71: {  	v6 =	vld [tilespmem:$0xA0];
	_ =	sdelay $0x2  }
0x72: {  	v5 =	vperm.xlane v4, v1;
	v9, _, _ =	vpop (xrf0)  }
0x73: {  	vm6 =	veq.s32 v7, v3;
	v9 =	vxor.u32 $0x80000000, v9  }
0x74: {  	vm8 =	veq.s32 v7, v5;
	vm5 =	veq.s32 v6, $0x1;
	vm7 =	vgt.s32 v9, v8  }
0x75: {  	vm8 =	vmor vm8, vm6;
	v6 =	vsel vm7, v9, v8;
	vm7 =	vgt.u32 v7, $0xFFFFFFFD  }
0x76: {  	v10 =	vld [tilespmem:$0x90];
	vm9 =	vmand vm4, vm3;
	vm4 =	vmor vm5, vm6;
	vm5 =	vmor vm8, vm7  }
0x77: {  	v8 =	vsel vm5, $0xFFFFFFFF, v7;
	_ =	sdelay $0x1  }
0x78: {  	s31 =	simm.s32 $0x3900  }
0x79: {  	s0 =	simm.s32 $0x0;
	s2 =	simm.s32 $0x2910;
	s16 =	simm.s32 $0x110;
	v11 =	vsel vm9, $0x80000000, v9;
	v6 =	vsel vm6, v9, v6  }
0x7a: {  	s17 =	simm.s32 $0x3910;
	s18 =	simm.s32 $0x1910;
	[tilespmem:s31+$0x0] =	vst v6;
	v6 =	vsel vm6, v9, v10;
	v7 =	vshift.insert v11, v0, s20;
	(ifvalue) =	ssetifvalue $0xFFFFFFFF  }
.LBB2_9:
0x7b: {  	[hbm4b:s1+s14] =	stream.indirect_vreg.scatter [tilespmem:s31], [sflag:$0x2], $0x1, v8, vm0, $0x4038;
	[tilespmem:$0x4920] =	vst v63  }
0x7c: {  	s0 =	sadd.s32 $0x10, s0;
	s31 =	smov.u32 s17;
	v8 =	vld [tilespmem:s2+$0x0]  }
0x7d: {  	p0 =	slt.u32 s0, $0x7F0  }
0x7e: {  	v9 =	vld [tilespmem:s16+$0x0];
	_ =	sdelay $0x2  }
0x7f: {  	vm5 =	vgt.s32 v8, v7  }
0x80: {  	v7 =	vsel vm5, v8, v7  }
0x81: {  	vm5 =	vne.s32 v9, $0xFFFFFFFF;
	v7 =	vxor.u32 $0x80000000, v7  }
0x82: {  	(xrf0) =	vmax.seg.scan.u32 vm5, v7;
	_ =	sdelay $0x2  }
0x83: {  	v7 =	vld [tilespmem:s18+$0x0];
	_ =	sdelay $0x1  }
0x84: {  	vm6 =	veq.s32 v9, v3;
	vm7 =	veq.s32 v9, v5  }
0x85: {  	vm8 =	vgt.u32 v9, $0xFFFFFFFD;
	vm4 =	vmor vm4, vm6;
	vm7 =	vmor vm7, vm6;
	v8, _, _ =	vpop (xrf0)  }
0x86: {  	vm5 =	vmand vm5, vm3;
	vm7 =	vmor vm7, vm8;
	v10 =	vxor.u32 $0x80000000, v8  }
.Ltmp7:
0x87: {  	v8 =	vsel vm7, $0xFFFFFFFF, v9;
	vm7 =	vgt.s32 v10, v7;
	v9 =	vsel vm5, $0x80000000, v10;
	(pc) =	sbr.rel @p0 .LBB2_9-.Ltmp7, $4  }
0x88: {  	v6 =	vsel vm6, v10, v6;
	v11 =	vsel vm7, v10, v7;
	v7 =	vshift.insert v9, v0, s20  }
0x89: {  	v9 =	vsel vm6, v10, v11  }
0x8a: {  	s2 =	sadd.s32 $0x10, s2;
	s16 =	sadd.s32 $0x10, s16;
	[tilespmem:s17+$0x0] =	vst v9  }
0x8b: {  	s18 =	sadd.s32 $0x10, s18;
	s17 =	sadd.s32 $0x10, s17;
	(ifvalue) =	ssetifvalue $0xFFFFFFFF  }
0x8c: {  	_ =	sdelay $0x3  }
0x8d: {  	[hbm4b:s1+s14] =	stream.indirect_vreg.scatter [tilespmem:s31], [sflag:$0x2], $0x1, v8, vm0, $0x4038;
	[tilespmem:$0x4920] =	vst v63  }
0x8e: {  	v3 =	vld [tilespmem:$0x40F0];
	_ =	sdelay $0x4  }
0x8f: {  	v3 =	vshift.insert v3, v1, s20;
	_ =	sdelay $0x1  }
0x90: {  	[tilespmem:s24+$0x0] =	vst.msk $0x1, v3  }
0x91: {  	v3 =	vsel vm4, $0x1, v1;
	[tilespmem:$0x90] =	vst v6  }
0x92: {  	[tilespmem:$0xA0] =	vst v3  }
0x93: {  	[spmem:s12] =	stream.linear.scatter [tilespmem:s25], [sflag:$0x1], $0x1, $0x38;
	[tilespmem:$0x4920] =	vst v63  }
0x94: {  	v3 =	vmctz.xlane vm4;
	_ =	swait.ge [sflag:s3], $0x1  }
0x95: {  	(v2sf) =	vpush v4, $0x0  }
0x96: {  	(v2sf) =	vpush v3, $0x0;
	_ =	sdelay $0xd  }
0x97: {  	s0 =	spop (v2sf)  }
0x98: {  	s2 =	spop (v2sf)  }
0x99: {  	[sflag:s3] =	ssyncset.done $0x0;
	p0 =	sne.s32 s30, s0;
	p1 =	slt.s32 s2, $0xF  }
0x9a: {  	[sflag:s3] =	ssyncadd.s32 $0xFFFFFFFF;
	v3 =	vimm.s32 @!p0 $0xFFFFFFFF;
	s2 =	simm.s32 @!p1 $0xF  }
0x9b: {  	[tilespmem:$0x80] =	vst @!p0 v3;
	s31 =	sadd.s32 $0x90, s2  }
0x9c: {  	[spmem:s10] =	stream.linear.scatter [tilespmem:s31], [sflag:$0x1], $0x1, $0x38;
	[tilespmem:$0x4920] =	vst v63  }
0x9d: {  	_ =	swait.ge [sflag:s3], $0x1  }
0x9e: {  	[sflag:s3] =	ssyncset.done $0x0  }
0x9f: {  	[sflag:s3] =	ssyncadd.s32 $0xFFFFFFFF  }
0xa0: {  	[spmem:s13] =	stream.linear.scatter [tilespmem:s26], [sflag:$0x1], $0x1, $0x38;
	[tilespmem:$0x4920] =	vst v63  }
0xa1: {  	_ =	swait.ge [sflag:s3], $0x1  }
0xa2: {  	[sflag:s3] =	ssyncset.done $0x0  }
0xa3: {  	[sflag:s3] =	ssyncadd.s32 $0xFFFFFFFF;
	(ifvalue) =	ssetifvalue $0xFFFFFFFF;
	v3 =	vld [tilespmem:$0x10];
	_ =	sdelay $0x3  }
.Ltmp8:
0xa4: {  	_ = 	snop;
	(pc) =	sbr.rel .LBB2_4-.Ltmp8, $3  }
0xa5: {  	_ =	sdelay $0x1  }
0xa6: {  	(ifvalue) =	ssetifvalue $0xFFFFFFFF  }
0xa7: {  	[hbm4b:s1+s14] =	stream.indirect_vreg.scatter [tilespmem:s19], [sflag:$0x9], $0x1, v3, vm0, $0x4038;
	[tilespmem:$0x4920] =	vst v63  }
.LBB2_12:
0xa8: {  	s0 =	simm.s32 $0x2  }
0xa9: {  	_ =	swait.ge [sflag:s0], $0x800  }
0xaa: {  	[sflag:s0] =	ssyncset.done $0x0  }
0xab: {  	s31 =	simm.s32 $0x9;
	[sflag:s0] =	ssyncadd.s32 $0xFFFFF800  }
0xac: {  	_ =	swait.ge [sflag:s31], $0x10  }
0xad: {  	[sflag:s31] =	ssyncset.done $0x0  }
0xae: {  	[sflag:s31] =	ssyncadd.s32 $0xFFFFFFF0  }
.LBB2_13:
0xaf: {  	_ =	sfence.sel $0x180000  }
0xb0: {  	s0 =	simm.s32 $0x7;
	[bflag:$0x0] =	sbarrier.arrive $0xFFFF  }
0xb1: {  	s26 =	simm.s32 $0x8;
	[sflag:s0] =	ssyncpa.u1 $0x1  }
0xb2: {  	s28 =	simm.s32 $0x9;
	[sflag:s26] =	ssyncpa.u1 $0x1  }
0xb3: {  	[sflag:s28] =	ssyncpa.u1 $0x1  }
0xb4: {  	_ =	sfence.stream.spmem  }
0xb5: {  	s29 =	simm.s32 $0x3;
	[bflag:$0x0] =	sbarrier.arrive $0xFFFF  }
0xb6: {  	s30 =	simm.s32 $0x4;
	[sflag:s29] =	ssyncpa.u1 $0x1  }
0xb7: {  	s31 =	simm.s32 $0x3C;
	s2 =	stileid.u32;
	[sflag:s30] =	ssyncpa.u1 $0x1  }
0xb8: {  	p0 =	sne.s32 s2, $0x0;
	[sflag:s31] =	ssyncpa.u1 $0x1  }
0xb9: {  	s0 =	simm.s32 @p0 $0x1;
	_ =	sfence @p0  }
0xba: {  	[sflag:s0] =	ssyncpa.u1 @p0 $0x1;
	s0 =	simm.s32 @p0 $0x2  }
0xbb: {  	[sflag:s0] =	ssyncpa.u1 @p0 $0x1  }
0xbc: {  	_ =	strace @p0 $0x90000047  }
0xbd: {  	[bflag:$0x2] =	sbarrier.arrive @p0 $0xFFFF  }
0xbe: {  	_ =	shalt @p0  }
.LBB2_14:
0xbf: {  	_ =	sfence.stream.spmem;
	s0 =	simm.s32 $0x5  }
0xc0: {  	s2 =	simm.s32 $0x80;
	s3 =	simm.s32 $0xC0;
	[sflag:s0] =	ssyncpa.u1 $0x0  }
0xc1: {  	[tilespmem:s3], [sflag:$0x5] =	stream.linear.gather [spmem:s2], $0x20, $0x38;
	[tilespmem:$0x4920] =	vst v63  }
0xc2: {  	s30 =	simm.s32 $0xE0;
	s2 =	simm.s32 $0x0  }
0xc3: {  	[tilespmem:s30], [sflag:$0x5] =	stream.linear.gather [spmem:s2], $0x20, $0x38;
	[tilespmem:$0x4920] =	vst v63  }
.Ltmp9:
0xc4: {  	_ = 	snop;
	(pc) =	sbr.rel .LBB2_15-.Ltmp9, $4  }
0xc5: {  	_ =	swait.ge [sflag:s0], $0x40  }
0xc6: {  	[sflag:s0] =	ssyncset.done $0x0  }
0xc7: {  	s31 =	simm.s32 $0x6;
	[sflag:s0] =	ssyncadd.s32 $0xFFFFFFC0  }
0xc8: {  	s3 =	simm.s32 $0x0;
	[sflag:s31] =	ssyncpa.u1 $0x0  }
.LBB2_20:
0xc9: {  	p0 =	sgt.u32 s4, $0x3FFFFF  }
0xca: {  	s0 =	sshrl.u32 @!p0 s4, $0x3  }
0xcb: {  	s4 =	sand.u32 @!p0 $0x7, s4;
	s5 =	simm.s32 @!p0 $0xB0;
	s0 =	sadd.s32 @!p0 s1, s0  }
0xcc: {  	[tilespmem:s5], [sflag:$0x6] =	stream.linear.gather @!p0 [hbm4b:s0+s4], $0x1, $0x38;
	[tilespmem:$0x4920] =	vst v63  }
0xcd: {  	s0 =	simm.s32 @!p0 $0x6  }
0xce: {  	_ =	swait.ge @!p0 [sflag:s0], $0x1  }
0xcf: {  	[sflag:s0] =	ssyncset.done @!p0 $0x0  }
0xd0: {  	[sflag:s0] =	ssyncadd.s32 @!p0 $0xFFFFFFFF  }
0xd1: {  	v1 =	vld.msk @!p0 [tilespmem:$0xB0], $0x1  }
0xd2: {  	v2 =	vld.msk @!p0 [tilespmem:s3+$0xE0], $0x1;
	_ =	sdelay $0x4  }
0xd3: {  	vm0 =	vgt.s32 @!p0 v2, v1  }
0xd4: {  	v1 =	vsel @!p0 vm0, v2, v1  }
0xd5: {  	[tilespmem:s3+$0xE0] =	vst.msk @!p0 $0x1, v1  }
0xd6: {  	[tilespmem:s2+$0xC0] =	vst.msk $0x1, v0  }
0xd7: {  	v0 =	vld.msk [tilespmem:s3+$0xE0], $0x1;
	_ =	sdelay $0x4  }
0xd8: {  	[tilespmem:s2+$0xE0] =	vst.msk $0x1, v0;
	s2 =	sadd.s32 $0x1, s2  }
.LBB2_22:
0xd9: {  	s3 =	sadd.s32 $0x1, s3  }
0xda: {  	p0 =	sne.s32 s3, $0x20  }
.Ltmp10:
0xdb: {  	_ = 	snop;
	(pc) =	sbr.rel @!p0 .LBB2_23-.Ltmp10, $1  }
0xdc: {  	_ =	sdelay $0x3  }
.LBB2_15:
0xdd: {  	v0 =	vld.msk [tilespmem:s3+$0xC0], $0x1;
	_ =	sdelay $0x4  }
0xde: {  	(v2sf) =	vpush v0, $0x0;
	_ =	sdelay $0xe  }
0xdf: {  	s4 =	spop (v2sf)  }
0xe0: {  	p0 =	seq.s32 s4, $0xFFFFFFFF  }
.Ltmp11:
0xe1: {  	_ = 	snop;
	(pc) =	sbr.rel @p0 .LBB2_22-.Ltmp11, $1  }
0xe2: {  	_ =	sdelay $0x3  }
0xe3: {  	p0 =	slt.s32 s2, $0x1  }
.Ltmp12:
0xe4: {  	_ = 	snop;
	(pc) =	sbr.rel @p0 .LBB2_20-.Ltmp12, $1  }
0xe5: {  	_ =	sdelay $0x3  }
0xe6: {  	s0 =	simm.s32 $0xC0;
	p0 =	por $0x0, $0x0  }
0xe7: {  	v1 =	vld.msk @!p0 [tilespmem:s0+$0x0], $0x1;
	_ =	sdelay $0x4  }
0xe8: {  	(v2sf) =	vpush @!p0 v1, $0x0;
	_ =	sdelay $0xd  }
0xe9: {  	p2 =	sne.s32 s2, $0x1  }
.Ltmp13:
0xea: {  	s5 =	spop @!p0 (v2sf);
	(pc) =	sbr.rel @!p2 .LBB2_19-.Ltmp13, $4  }
0xeb: {  	p1 =	seq.s32 @!p0 s4, s5  }
0xec: {  	s5 =	simm.s32 $0x0;
	p1 =	por !p1, p0  }
0xed: {  	s7 =	simm.s32 $0xFFFFFFFF;
	s5 =	simm.s32 @p1 $0xFFFFFFFF  }
0xee: {  	s6 =	simm.s32 $0x1;
	s5 =	smov.u32 @p0 s7  }
.LBB2_18:
0xef: {  	s7 =	smov.u32 s5;
	p0 =	sne.s32 s5, $0xFFFFFFFF  }
0xf0: {  	s0 =	sadd.s32 $0x1, s0;
	s5 =	smov.u32 s6;
	s6 =	sadd.s32 $0x1, s6  }
0xf1: {  	p1 =	sne.s32 s2, s6;
	v1 =	vld.msk @!p0 [tilespmem:s0+$0x0], $0x1;
	_ =	sdelay $0x4  }
0xf2: {  	(v2sf) =	vpush @!p0 v1, $0x0;
	_ =	sdelay $0xe  }
.Ltmp14:
0xf3: {  	s8 =	spop @!p0 (v2sf);
	(pc) =	sbr.rel @p1 .LBB2_18-.Ltmp14, $4  }
0xf4: {  	p2 =	seq.s32 @!p0 s4, s8  }
0xf5: {  	p2 =	por !p2, p0  }
0xf6: {  	s5 =	simm.s32 @p2 $0xFFFFFFFF  }
0xf7: {  	s5 =	smov.u32 @p0 s7  }
.LBB2_19:
0xf8: {  	p0 =	sne.s32 s5, $0xFFFFFFFF  }
.Ltmp15:
0xf9: {  	_ = 	snop;
	(pc) =	sbr.rel @!p0 .LBB2_20-.Ltmp15, $1  }
0xfa: {  	_ =	sdelay $0x3  }
0xfb: {  	v0 =	vld.msk [tilespmem:s3+$0xE0], $0x1  }
0xfc: {  	v1 =	vld.msk [tilespmem:s5+$0xE0], $0x1;
	_ =	sdelay $0x2  }
.Ltmp16:
0xfd: {  	_ = 	snop;
	(pc) =	sbr.rel .LBB2_22-.Ltmp16, $4  }
0xfe: {  	_ = 	snop  }
0xff: {  	vm0 =	vgt.s32 v1, v0  }
0x100: {  	v0 =	vsel vm0, v1, v0  }
0x101: {  	[tilespmem:s5+$0xE0] =	vst.msk $0x1, v0  }
.LBB2_23:
0x102: {  	p0 =	slt.s32 s2, $0x1  }
.Ltmp17:
0x103: {  	_ = 	snop;
	(pc) =	sbr.rel @p0 .LBB2_27-.Ltmp17, $3  }
0x104: {  	_ =	sdelay $0x1  }
0x105: {  	s0 =	simm.s32 $0x6  }
0x106: {  	[sflag:s0] =	ssyncpa.u1 $0x1;
	s0 =	simm.s32 $0x0  }
0x107: {  	s3 =	simm.s32 $0xC0  }
0x108: {  	v0 =	vld.msk [tilespmem:s3+$0x0], $0x1;
	_ =	sdelay $0x4  }
0x109: {  	(v2sf) =	vpush v0, $0x0;
	_ =	sdelay $0xe  }
0x10a: {  	s2 =	sadd.s32 $0xFFFFFFFF, s2;
	s4 =	spop (v2sf)  }
0x10b: {  	p1 =	sne.s32 s2, $0x0;
	p0 =	sgt.u32 s4, $0x3FFFFF  }
.Ltmp18:
0x10c: {  	s5 =	sshrl.u32 @!p0 s4, $0x3;
	(pc) =	sbr.rel @!p1 .LBB2_26-.Ltmp18, $4  }
0x10d: {  	s3 =	simm.s32 $0xE0;
	s4 =	sand.u32 @!p0 $0x7, s4;
	s5 =	sadd.s32 @!p0 s1, s5  }
0x10e: {  	[hbm4b:s5+s4] =	stream.linear.scatter @!p0 [tilespmem:s3], [sflag:$0x5], $0x1, $0x38;
	[tilespmem:$0x4920] =	vst v63  }
0x10f: {  	s5 =	simm.s32 $0x0  }
0x110: {  	s4 =	simm.s32 $0xC1;
	s5 =	simm.s32 @!p0 $0x4  }
.LBB2_25:
0x111: {  	v0 =	vld.msk [tilespmem:s4+$0x0], $0x1;
	s2 =	sadd.s32 $0xFFFFFFFF, s2;
	s0 =	sadd.s32 s0, s5  }
0x112: {  	p0 =	sne.s32 s2, $0x0;
	_ =	sdelay $0x3  }
0x113: {  	(v2sf) =	vpush v0, $0x0;
	_ =	sdelay $0xe  }
.Ltmp19:
0x114: {  	s6 =	spop (v2sf);
	(pc) =	sbr.rel @p0 .LBB2_25-.Ltmp19, $4  }
0x115: {  	s5 =	simm.s32 $0x0;
	p1 =	sgt.u32 s6, $0x3FFFFF  }
0x116: {  	s3 =	sadd.s32 $0x1, s3;
	s5 =	simm.s32 @!p1 $0x4;
	s7 =	sshrl.u32 @!p1 s6, $0x3  }
0x117: {  	s4 =	sadd.s32 $0x1, s4;
	s6 =	sand.u32 @!p1 $0x7, s6;
	s7 =	sadd.s32 @!p1 s1, s7  }
0x118: {  	[hbm4b:s7+s6] =	stream.linear.scatter @!p1 [tilespmem:s3], [sflag:$0x5], $0x1, $0x38;
	[tilespmem:$0x4920] =	vst v63  }
.LBB2_26:
0x119: {  	s0 =	sadd.s32 s0, s5  }
0x11a: {  	s0 =	sshrl.u32 s0, $0x2  }
.LBB2_27:
0x11b: {  	s1 =	simm.s32 $0x5  }
0x11c: {  	_ =	swait.ge [sflag:s1], s0  }
0x11d: {  	s28 =	ssub.s32 $0x0, s0;
	[sflag:s1] =	ssyncset.done $0x0  }
0x11e: {  	[sflag:s1] =	ssyncadd.s32 s28  }
0x11f: {  	[sflag:s1] =	ssyncpa.u1 $0x1  }
0x120: {  	s29 =	simm.s32 $0x1;
	_ =	sfence  }
0x121: {  	s30 =	simm.s32 $0x2;
	[sflag:s29] =	ssyncpa.u1 $0x1  }
0x122: {  	[sflag:s30] =	ssyncpa.u1 $0x1  }
0x123: {  	_ =	strace $0x90000047  }
0x124: {  	[bflag:$0x2] =	sbarrier.arrive $0xFFFF  }
0x125: {  	s31 =	rddreg [dreg:$0x1]  }
0x126: {  	s0 =	sadd.s32 $0x100000, s31  }
0x127: {  	[sflag:s0] =	ssyncadd.tile.s32 $0x1;
	_ =	shalt  }
.Lfunc_end2:
_tile_overlayer_lowered:
.L_overlay_start_2:
0x128: {  	(tag) =	ssettag $0x2  }
0x129: {  	s0 =	rddreg [dreg:$0x0];
	s2 =	stileid.u32  }
0x12a: {  	s1 =	rddreg [dreg:$0x1];
	p0 =	sne.s32 s2, $0x0  }
0x12b: {  	s3 =	rddreg [dreg:$0x2];
	[bflag:$0x3] =	sbarrier.arrive $0xFFFF;
	s2 =	simm.s32 @!p0 $0x1C01  }
0x12c: {  	[timem:s3], [sflag:s2] =	dma.local @!p0 [hbm:s0], s1  }
0x12d: {  	s0 =	simm.s32 @!p0 $0x1  }
0x12e: {  	_ =	swait.ge @!p0 [sflag:s0], s1  }
0x12f: {  	s1 =	ssub.s32 @!p0 $0x0, s1;
	[sflag:s0] =	ssyncset.done @!p0 $0x0  }
0x130: {  	[sflag:s0] =	ssyncadd.s32 @!p0 s1  }
0x131: {  	[bflag:$0x3] =	sbarrier.arrive $0xFFFF  }
0x132: {  	_ =	shalt  }

</sc_bundles>
